<compile_context>
chip_gen: v7x
topology: tpu7x:2x2x1
jax: 0.10.2.dev20260603
libtpu: 0.0.44.dev20260713+nightly
codegen_flags: <defaults>
</compile_context>

<pallas_src>
import functools

import jax
import jax.numpy as jnp
from jax import lax
from jax.experimental import pallas as pl
from jax.experimental.pallas import tpu as pltpu
from jax.experimental.pallas import tpu_sc as plsc

_N = 10000
_E = 320000
_D = 128
_DOUT = 64
_HOPS = 3

_CHUNK = 128
_NWORK = 32
_CH_PER_W = 79
_EPAD = _NWORK * _CH_PER_W * _CHUNK
_RPT = 624
_RREM = _N - 16 * _RPT
_ACC_ROWS = _N + 16


def _sc_agg_body(cur_hbm, s0_hbm, s1_hbm, s2_hbm, d0_hbm, d1_hbm, d2_hbm,
                 out_hbm, sidx_v, didx_v, rows_v, acc, sem):
    c = lax.axis_index("c")
    s = lax.axis_index("s")
    w = s * 2 + c
    shbm = [s0_hbm, s1_hbm, s2_hbm]
    dhbm = [d0_hbm, d1_hbm, d2_hbm]

    for hop in range(_HOPS):
        pltpu.sync_copy(cur_hbm.at[pl.ds(s * _RPT, _RPT)],
                        acc.at[pl.ds(s * _RPT, _RPT)])

        @pl.when(s == 15)
        def _():
            pltpu.sync_copy(cur_hbm.at[pl.ds(16 * _RPT, _RREM)],
                            acc.at[pl.ds(16 * _RPT, _RREM)])

        plsc.subcore_barrier()

        def body(i, carry):
            off = (w * _CH_PER_W + i) * _CHUNK
            pltpu.sync_copy(shbm[hop].at[pl.ds(off, _CHUNK)], sidx_v)
            pltpu.sync_copy(dhbm[hop].at[pl.ds(off, _CHUNK)], didx_v)
            pltpu.async_copy(cur_hbm.at[sidx_v], rows_v, sem).wait()
            pltpu.sync_copy(rows_v, acc.at[didx_v], add=True)
            return carry

        lax.fori_loop(0, _CH_PER_W, body, 0)
        plsc.subcore_barrier()
        pltpu.sync_copy(acc.at[pl.ds(s * _RPT, _RPT)],
                        out_hbm.at[hop, c, pl.ds(s * _RPT, _RPT)])

        @pl.when(s == 15)
        def _():
            pltpu.sync_copy(acc.at[pl.ds(16 * _RPT, _RREM)],
                            out_hbm.at[hop, c, pl.ds(16 * _RPT, _RREM)])

        plsc.subcore_barrier()


def _sc_agg(cur, sidx, didx):
    mesh = plsc.VectorSubcoreMesh(core_axis_name="c", subcore_axis_name="s")
    return pl.kernel(
        _sc_agg_body,
        out_type=jax.ShapeDtypeStruct((_HOPS, 2, _N, _D), jnp.float32),
        mesh=mesh,
        scratch_types=[
            pltpu.VMEM((_CHUNK,), jnp.int32),
            pltpu.VMEM((_CHUNK,), jnp.int32),
            pltpu.VMEM((_CHUNK, _D), jnp.float32),
            pltpu.VMEM_SHARED((_ACC_ROWS, _D), jnp.float32),
            pltpu.SemaphoreType.DMA,
        ],
    )(cur, sidx[0], sidx[1], sidx[2], didx[0], didx[1], didx[2])


_ROWS_BLK = 1000


def _pre_body(x_ref, w_ref, o_ref):
    o_ref[...] = jnp.maximum(
        jnp.dot(x_ref[...], w_ref[...], preferred_element_type=jnp.float32),
        0.0)


def _tc_pre(x, w_pre):
    return pl.pallas_call(
        _pre_body,
        grid=(_N // _ROWS_BLK,),
        in_specs=[
            pl.BlockSpec((_ROWS_BLK, _D), lambda i: (i, 0)),
            pl.BlockSpec((_D, _D), lambda i: (0, 0)),
        ],
        out_specs=pl.BlockSpec((_ROWS_BLK, _D), lambda i: (i, 0)),
        out_shape=jax.ShapeDtypeStruct((_N, _D), jnp.float32),
    )(x, w_pre)


def _layer_body(eps_ref, cur_ref, p_ref, w1_ref, w2_ref, o_ref):
    cur = cur_ref[...]
    acc = (1.0 + eps_ref[0]) * cur
    for h in range(_HOPS):
        agg = p_ref[h, 0] + p_ref[h, 1] - cur
        t = jnp.maximum(
            jnp.dot(agg, w1_ref[h], preferred_element_type=jnp.float32), 0.0)
        acc = acc + jnp.dot(t, w2_ref[h], preferred_element_type=jnp.float32)
    o_ref[...] = acc


def _tc_layer(cur, parts, w1, w2, eps):
    return pl.pallas_call(
        _layer_body,
        grid=(_N // _ROWS_BLK,),
        in_specs=[
            pl.BlockSpec(memory_space=pltpu.SMEM),
            pl.BlockSpec((_ROWS_BLK, _D), lambda i: (i, 0)),
            pl.BlockSpec((_HOPS, 2, _ROWS_BLK, _D), lambda i: (0, 0, i, 0)),
            pl.BlockSpec((_HOPS, _D, _D), lambda i: (0, 0, 0)),
            pl.BlockSpec((_HOPS, _D, _D), lambda i: (0, 0, 0)),
        ],
        out_specs=pl.BlockSpec((_ROWS_BLK, _D), lambda i: (i, 0)),
        out_shape=jax.ShapeDtypeStruct((_N, _D), jnp.float32),
    )(eps, cur, parts, w1, w2)


def _layer_head_body(eps_ref, cur_ref, p_ref, w1_ref, w2_ref, hw_ref, hb_ref,
                     o_ref):
    cur = cur_ref[...]
    acc = (1.0 + eps_ref[0]) * cur
    for h in range(_HOPS):
        agg = p_ref[h, 0] + p_ref[h, 1] - cur
        t = jnp.maximum(
            jnp.dot(agg, w1_ref[h], preferred_element_type=jnp.float32), 0.0)
        acc = acc + jnp.dot(t, w2_ref[h], preferred_element_type=jnp.float32)
    o_ref[...] = (
        jnp.dot(acc, hw_ref[...], preferred_element_type=jnp.float32)
        + hb_ref[...])


def _tc_layer_head(cur, parts, w1, w2, eps, head_w, head_b):
    return pl.pallas_call(
        _layer_head_body,
        grid=(_N // _ROWS_BLK,),
        in_specs=[
            pl.BlockSpec(memory_space=pltpu.SMEM),
            pl.BlockSpec((_ROWS_BLK, _D), lambda i: (i, 0)),
            pl.BlockSpec((_HOPS, 2, _ROWS_BLK, _D), lambda i: (0, 0, i, 0)),
            pl.BlockSpec((_HOPS, _D, _D), lambda i: (0, 0, 0)),
            pl.BlockSpec((_HOPS, _D, _D), lambda i: (0, 0, 0)),
            pl.BlockSpec((_D, _DOUT), lambda i: (0, 0)),
            pl.BlockSpec((1, _DOUT), lambda i: (0, 0)),
        ],
        out_specs=pl.BlockSpec((_ROWS_BLK, _DOUT), lambda i: (i, 0)),
        out_shape=jax.ShapeDtypeStruct((_N, _DOUT), jnp.float32),
    )(eps, cur, parts, w1, w2, head_w, head_b.reshape(1, _DOUT))


def kernel(x, edge_index, batch,
           agg_scatter_index_0, agg_scatter_index_1, agg_scatter_index_2,
           agg_node_index_0, agg_node_index_1, agg_node_index_2,
           W_pre, eps, mlp_w1, mlp_w2, head_w, head_b):
    sidx = jnp.stack(
        [agg_scatter_index_0, agg_scatter_index_1, agg_scatter_index_2])
    didx = jnp.stack(
        [agg_node_index_0, agg_node_index_1, agg_node_index_2])
    sidx = jnp.pad(sidx, ((0, 0), (0, _EPAD - _E)))
    didx = jnp.pad(didx, ((0, 0), (0, _EPAD - _E)), constant_values=_N)

    cur = _tc_pre(x, W_pre)
    parts = _sc_agg(cur, sidx, didx)
    cur = _tc_layer(cur, parts, mlp_w1[0], mlp_w2[0], eps)
    parts = _sc_agg(cur, sidx, didx)
    return _tc_layer_head(cur, parts, mlp_w1[1], mlp_w2[1], eps,
                          head_w, head_b)

# --- scband reference (transcript-rebuilt; emitter-appended) ---
"""Pipeline reference for scband-local-wlgnn-64630667870914 (READ-ONLY COPY).

The authoritative reference and input builder live on the scoring server;
editing this copy changes nothing except your own understanding.
"""

import jax, jax.numpy as jnp
import numpy as np

N = 10000
E = 320000
D = 128
DOUT = 64
HOPS = 3
LAYERS = 2


def setup_inputs(seed: int = 0) -> dict:
    key = jax.random.key(seed)
    ks = jax.random.split(key, 20)
    inp = {}
    inp['x'] = jax.random.normal(ks[0], (N, D), dtype=jnp.float32)
    inp['edge_index'] = jax.random.randint(ks[1], (2, E), 0, N, dtype=jnp.int32)
    inp['batch'] = jnp.zeros((N,), dtype=jnp.int32)
    for h in range(HOPS):
        inp['agg_scatter_index_' + str(h)] = jax.random.randint(ks[2 + h], (E,), 0, N, dtype=jnp.int32)
        inp['agg_node_index_' + str(h)] = jax.random.randint(ks[5 + h], (E,), 0, N, dtype=jnp.int32)
    s = 1.0 / np.sqrt(D)
    inp['W_pre'] = jax.random.normal(ks[8], (D, D), dtype=jnp.float32) * s
    inp['eps'] = jnp.ones((1,), dtype=jnp.float32) * 0.1
    inp['mlp_w1'] = jax.random.normal(ks[9], (LAYERS, HOPS, D, D), dtype=jnp.float32) * s
    inp['mlp_w2'] = jax.random.normal(ks[10], (LAYERS, HOPS, D, D), dtype=jnp.float32) * s
    inp['head_w'] = jax.random.normal(ks[11], (D, DOUT), dtype=jnp.float32) * s
    inp['head_b'] = jnp.zeros((DOUT,), dtype=jnp.float32)
    return inp


def reference(x, edge_index, batch,
              agg_scatter_index_0, agg_scatter_index_1, agg_scatter_index_2,
              agg_node_index_0, agg_node_index_1, agg_node_index_2,
              W_pre, eps, mlp_w1, mlp_w2, head_w, head_b):
    scatter_idx = [agg_scatter_index_0, agg_scatter_index_1, agg_scatter_index_2]
    node_idx = [agg_node_index_0, agg_node_index_1, agg_node_index_2]
    # pre_mp: GNNPreMP (linear + relu)
    cur = jax.nn.relu(x @ W_pre)
    for l in range(LAYERS):
        out = (1.0 + eps[0]) * cur
        for hop in range(HOPS):
            # h_v = x[agg_scatter_index_hop]  (gather)
            h_v = jnp.take(cur, scatter_idx[hop], axis=0)
            # scatter_reduce(0, agg_node_index, h_v, reduce='sum', include_self=True)
            h = cur.at[node_idx[hop]].add(h_v)
            # 2-layer MLP, no bias, no act on output
            h = jax.nn.relu(h @ mlp_w1[l, hop])
            h = h @ mlp_w2[l, hop]
            # hop_pool == 'sum'
            out = out + h
            # dropout p=0 in eval mode -> identity
        cur = out
    # post_mp node-level head: linear
    return cur @ head_w + head_b

if __name__ == "__main__":
    import jax
    _d = setup_inputs()
    print(jax.jit(kernel)(*tuple(_d.values())))

</pallas_src>

<mosaic_0001>
#map = affine_map<(d0, d1) -> (0, 0)>
#map1 = affine_map<(d0, d1) -> (0)>
#map2 = affine_map<(d0, d1) -> (0, 0, 0, 0)>
module attributes {stable_mosaic.version = 14 : i64} {
  func.func @_sc_agg_body(%arg0: i32, %arg1: i32, %arg2: memref<10000x128xf32, #tpu.memory_space<hbm>>, %arg3: memref<323584xi32, #tpu.memory_space<hbm>>, %arg4: memref<323584xi32, #tpu.memory_space<hbm>>, %arg5: memref<323584xi32, #tpu.memory_space<hbm>>, %arg6: memref<323584xi32, #tpu.memory_space<hbm>>, %arg7: memref<323584xi32, #tpu.memory_space<hbm>>, %arg8: memref<323584xi32, #tpu.memory_space<hbm>>, %arg9: memref<3x2x10000x128xf32, #tpu.memory_space<hbm>>, %arg10: memref<128xi32, #tpu.memory_space<vmem>>, %arg11: memref<128xi32, #tpu.memory_space<vmem>>, %arg12: memref<128x128xf32, #tpu.memory_space<vmem>>, %arg13: memref<10016x128xf32, #tpu.memory_space<vmem_shared>>, %arg14: memref<!tpu.dma_semaphore, #tpu.memory_space<semaphore_mem>>) attributes {dimension_semantics = [#tpu.dimension_semantics<core_parallel>, #tpu.dimension_semantics<subcore_parallel>], iteration_bounds = array<i64: 2, 16>, scalar_prefetch = 0 : i64, scratch_operands = 5 : i64, tpu.core_type = #tpu.core_type<sc_vector_subcore>, window_params = [{transform_indices = #map}, {transform_indices = #map1}, {transform_indices = #map1}, {transform_indices = #map1}, {transform_indices = #map1}, {transform_indices = #map1}, {transform_indices = #map1}, {transform_indices = #map2}]} {
    %mul3A = arith.constant 2 : i32
    %mul3A_0 = arith.muli %arg1, %mul3A : i32
    %add3A = arith.addi %mul3A_0, %arg0 : i32
    %mul3A_1 = arith.constant 624 : i32
    %mul3A_2 = arith.muli %arg1, %mul3A_1 : i32
    %mul3A_3 = arith.constant 624 : i32
    %mul3A_4 = arith.muli %arg1, %mul3A_3 : i32
    "tpu.region"() ({
      %run_scoped3A_79 = tpu.sem_alloc : memref<!tpu.dma_semaphore, #tpu.memory_space<semaphore_mem>>
      %dma_start3A = arith.constant 0 : i32
      %dma_start3A_80 = tpu.memref_slice %arg13[%mul3A_4, %dma_start3A] : memref<10016x128xf32, #tpu.memory_space<vmem_shared>> -> memref<624x128xf32, #tpu.memory_space<vmem_shared>>
      %dma_start3A_81 = arith.constant 0 : i32
      %dma_start3A_82 = tpu.memref_slice %arg2[%mul3A_2, %dma_start3A_81] : memref<10000x128xf32, #tpu.memory_space<hbm>> -> memref<624x128xf32, #tpu.memory_space<hbm>>
      tpu.enqueue_dma source(%dma_start3A_82 : memref<624x128xf32, #tpu.memory_space<hbm>>) target(%dma_start3A_80 : memref<624x128xf32, #tpu.memory_space<vmem_shared>>) target_semaphore(%run_scoped3A_79 : memref<!tpu.dma_semaphore, #tpu.memory_space<semaphore_mem>>)
      %dma_wait3A = arith.constant 0 : i32
      %dma_wait3A_83 = tpu.memref_slice %arg13[%mul3A_4, %dma_wait3A] : memref<10016x128xf32, #tpu.memory_space<vmem_shared>> -> memref<624x128xf32, #tpu.memory_space<vmem_shared>>
      %dma_wait3A_84 = arith.constant 0 : i32
      %dma_wait3A_85 = tpu.memref_slice %arg2[%mul3A_2, %dma_wait3A_84] : memref<10000x128xf32, #tpu.memory_space<hbm>> -> memref<624x128xf32, #tpu.memory_space<hbm>>
      tpu.wait_dma2 semaphore(%run_scoped3A_79 : memref<!tpu.dma_semaphore, #tpu.memory_space<semaphore_mem>>) src(%dma_wait3A_85 : memref<624x128xf32, #tpu.memory_space<hbm>>) dst(%dma_wait3A_83 : memref<624x128xf32, #tpu.memory_space<vmem_shared>>)
      tpu.yield
    }) : () -> ()
    %eq3A = arith.constant 15 : i32
    %eq3A_5 = arith.cmpi eq, %arg1, %eq3A : i32
    %convert_element_type3A = arith.extui %eq3A_5 : i1 to i32
    %cond3A = arith.constant 0 : i32
    %cond3A_6 = arith.cmpi ne, %convert_element_type3A, %cond3A : i32
    scf.if %cond3A_6 {
      "tpu.region"() ({
        %run_scoped3A_79 = tpu.sem_alloc : memref<!tpu.dma_semaphore, #tpu.memory_space<semaphore_mem>>
        %dma_start3A = arith.constant 9984 : i32
        %dma_start3A_80 = arith.constant 0 : i32
        %dma_start3A_81 = tpu.memref_slice %arg13[%dma_start3A, %dma_start3A_80] : memref<10016x128xf32, #tpu.memory_space<vmem_shared>> -> memref<16x128xf32, #tpu.memory_space<vmem_shared>>
        %dma_start3A_82 = arith.constant 9984 : i32
        %dma_start3A_83 = arith.constant 0 : i32
        %dma_start3A_84 = tpu.memref_slice %arg2[%dma_start3A_82, %dma_start3A_83] : memref<10000x128xf32, #tpu.memory_space<hbm>> -> memref<16x128xf32, #tpu.memory_space<hbm>>
        tpu.enqueue_dma source(%dma_start3A_84 : memref<16x128xf32, #tpu.memory_space<hbm>>) target(%dma_start3A_81 : memref<16x128xf32, #tpu.memory_space<vmem_shared>>) target_semaphore(%run_scoped3A_79 : memref<!tpu.dma_semaphore, #tpu.memory_space<semaphore_mem>>)
        %dma_wait3A = arith.constant 9984 : i32
        %dma_wait3A_85 = arith.constant 0 : i32
        %dma_wait3A_86 = tpu.memref_slice %arg13[%dma_wait3A, %dma_wait3A_85] : memref<10016x128xf32, #tpu.memory_space<vmem_shared>> -> memref<16x128xf32, #tpu.memory_space<vmem_shared>>
        %dma_wait3A_87 = arith.constant 9984 : i32
        %dma_wait3A_88 = arith.constant 0 : i32
        %dma_wait3A_89 = tpu.memref_slice %arg2[%dma_wait3A_87, %dma_wait3A_88] : memref<10000x128xf32, #tpu.memory_space<hbm>> -> memref<16x128xf32, #tpu.memory_space<hbm>>
        tpu.wait_dma2 semaphore(%run_scoped3A_79 : memref<!tpu.dma_semaphore, #tpu.memory_space<semaphore_mem>>) src(%dma_wait3A_89 : memref<16x128xf32, #tpu.memory_space<hbm>>) dst(%dma_wait3A_86 : memref<16x128xf32, #tpu.memory_space<vmem_shared>>)
        tpu.yield
      }) : () -> ()
    } else {
    }
    %barrier3A = arith.constant 0 : index
    tpu.barrier barrier_id(%barrier3A)
    %scan3A = arith.constant 0 : i32
    %scan3A_7 = arith.constant 0 : i32
    %scan3A_8 = arith.constant 79 : i32
    %scan3A_9 = arith.addi %scan3A_7, %scan3A_8 : i32
    %scan3A_10 = arith.constant 1 : i32
    scf.for %scan3A_79 = %scan3A_7 to %scan3A_9 step %scan3A_10  : i32 {
      %mul3A_80 = arith.constant 79 : i32
      %mul3A_81 = arith.muli %add3A, %mul3A_80 : i32
      %add3A_82 = arith.addi %mul3A_81, %scan3A_79 : i32
      %mul3A_83 = arith.constant 128 : i32
      %mul3A_84 = arith.muli %add3A_82, %mul3A_83 : i32
      "tpu.region"() ({
        %run_scoped3A_89 = tpu.sem_alloc : memref<!tpu.dma_semaphore, #tpu.memory_space<semaphore_mem>>
        %dma_start3A_90 = tpu.memref_slice %arg3[%mul3A_84] : memref<323584xi32, #tpu.memory_space<hbm>> -> memref<128xi32, #tpu.memory_space<hbm>>
        %dma_start3A_91 = tpu.memref_slice %arg3[%mul3A_84] : memref<323584xi32, #tpu.memory_space<hbm>> -> memref<128xi32, #tpu.memory_space<hbm>>
        tpu.enqueue_dma source(%dma_start3A_91 : memref<128xi32, #tpu.memory_space<hbm>>) target(%arg10 : memref<128xi32, #tpu.memory_space<vmem>>) target_semaphore(%run_scoped3A_89 : memref<!tpu.dma_semaphore, #tpu.memory_space<semaphore_mem>>)
        %dma_wait3A_92 = tpu.memref_slice %arg3[%mul3A_84] : memref<323584xi32, #tpu.memory_space<hbm>> -> memref<128xi32, #tpu.memory_space<hbm>>
        %dma_wait3A_93 = tpu.memref_slice %arg3[%mul3A_84] : memref<323584xi32, #tpu.memory_space<hbm>> -> memref<128xi32, #tpu.memory_space<hbm>>
        tpu.wait_dma2 semaphore(%run_scoped3A_89 : memref<!tpu.dma_semaphore, #tpu.memory_space<semaphore_mem>>) src(%dma_wait3A_93 : memref<128xi32, #tpu.memory_space<hbm>>) dst(%arg10 : memref<128xi32, #tpu.memory_space<vmem>>)
        tpu.yield
      }) : () -> ()
      "tpu.region"() ({
        %run_scoped3A_89 = tpu.sem_alloc : memref<!tpu.dma_semaphore, #tpu.memory_space<semaphore_mem>>
        %dma_start3A_90 = tpu.memref_slice %arg6[%mul3A_84] : memref<323584xi32, #tpu.memory_space<hbm>> -> memref<128xi32, #tpu.memory_space<hbm>>
        %dma_start3A_91 = tpu.memref_slice %arg6[%mul3A_84] : memref<323584xi32, #tpu.memory_space<hbm>> -> memref<128xi32, #tpu.memory_space<hbm>>
        tpu.enqueue_dma source(%dma_start3A_91 : memref<128xi32, #tpu.memory_space<hbm>>) target(%arg11 : memref<128xi32, #tpu.memory_space<vmem>>) target_semaphore(%run_scoped3A_89 : memref<!tpu.dma_semaphore, #tpu.memory_space<semaphore_mem>>)
        %dma_wait3A_92 = tpu.memref_slice %arg6[%mul3A_84] : memref<323584xi32, #tpu.memory_space<hbm>> -> memref<128xi32, #tpu.memory_space<hbm>>
        %dma_wait3A_93 = tpu.memref_slice %arg6[%mul3A_84] : memref<323584xi32, #tpu.memory_space<hbm>> -> memref<128xi32, #tpu.memory_space<hbm>>
        tpu.wait_dma2 semaphore(%run_scoped3A_89 : memref<!tpu.dma_semaphore, #tpu.memory_space<semaphore_mem>>) src(%dma_wait3A_93 : memref<128xi32, #tpu.memory_space<hbm>>) dst(%arg11 : memref<128xi32, #tpu.memory_space<vmem>>)
        tpu.yield
      }) : () -> ()
      %dma_start3A = arith.constant 0 : i32
      %dma_start3A_85 = arith.constant 0 : i32
      %dma_start3A_86 = tpu.memref_slice %arg2[%dma_start3A, %dma_start3A_85] : memref<10000x128xf32, #tpu.memory_space<hbm>> -> memref<10000x128xf32, #tpu.memory_space<hbm>>
      tpu.enqueue_indirect_dma source(%dma_start3A_86 : memref<10000x128xf32, #tpu.memory_space<hbm>>) target(%arg12 : memref<128x128xf32, #tpu.memory_space<vmem>>) offsets(%arg10 : memref<128xi32, #tpu.memory_space<vmem>>) semaphore(%arg14 : memref<!tpu.dma_semaphore, #tpu.memory_space<semaphore_mem>>)
      %dma_wait3A = arith.constant 0 : i32
      %dma_wait3A_87 = arith.constant 0 : i32
      %dma_wait3A_88 = tpu.memref_slice %arg2[%dma_wait3A, %dma_wait3A_87] : memref<10000x128xf32, #tpu.memory_space<hbm>> -> memref<10000x128xf32, #tpu.memory_space<hbm>>
      tpu.wait_indirect_dma semaphore(%arg14 : memref<!tpu.dma_semaphore, #tpu.memory_space<semaphore_mem>>) src(%dma_wait3A_88 : memref<10000x128xf32, #tpu.memory_space<hbm>>) dst(%arg12 : memref<128x128xf32, #tpu.memory_space<vmem>>)
      "tpu.region"() ({
        %run_scoped3A_89 = tpu.sem_alloc : memref<!tpu.dma_semaphore, #tpu.memory_space<semaphore_mem>>
        %dma_start3A_90 = arith.constant 0 : i32
        %dma_start3A_91 = arith.constant 0 : i32
        %dma_start3A_92 = tpu.memref_slice %arg13[%dma_start3A_90, %dma_start3A_91] : memref<10016x128xf32, #tpu.memory_space<vmem_shared>> -> memref<10016x128xf32, #tpu.memory_space<vmem_shared>>
        tpu.enqueue_indirect_dma source(%arg12 : memref<128x128xf32, #tpu.memory_space<vmem>>) target(%dma_start3A_92 : memref<10016x128xf32, #tpu.memory_space<vmem_shared>>) offsets(%arg11 : memref<128xi32, #tpu.memory_space<vmem>>) semaphore(%run_scoped3A_89 : memref<!tpu.dma_semaphore, #tpu.memory_space<semaphore_mem>>) {add = true}
        %dma_wait3A_93 = arith.constant 0 : i32
        %dma_wait3A_94 = arith.constant 0 : i32
        %dma_wait3A_95 = tpu.memref_slice %arg13[%dma_wait3A_93, %dma_wait3A_94] : memref<10016x128xf32, #tpu.memory_space<vmem_shared>> -> memref<10016x128xf32, #tpu.memory_space<vmem_shared>>
        tpu.wait_indirect_dma semaphore(%run_scoped3A_89 : memref<!tpu.dma_semaphore, #tpu.memory_space<semaphore_mem>>) src(%arg12 : memref<128x128xf32, #tpu.memory_space<vmem>>) dst(%dma_wait3A_95 : memref<10016x128xf32, #tpu.memory_space<vmem_shared>>)
        tpu.yield
      }) : () -> ()
    }
    %scan3A_11 = arith.constant 79 : i32
    %barrier3A_12 = arith.constant 0 : index
    tpu.barrier barrier_id(%barrier3A_12)
    %mul3A_13 = arith.constant 624 : i32
    %mul3A_14 = arith.muli %arg1, %mul3A_13 : i32
    %mul3A_15 = arith.constant 624 : i32
    %mul3A_16 = arith.muli %arg1, %mul3A_15 : i32
    %run_scoped3A = arith.constant 0 : i32
    "tpu.region"() ({
      %run_scoped3A_79 = tpu.sem_alloc : memref<!tpu.dma_semaphore, #tpu.memory_space<semaphore_mem>>
      %dma_start3A = arith.constant 0 : i32
      %dma_start3A_80 = tpu.memref_slice %arg9[%run_scoped3A, %arg0, %mul3A_16, %dma_start3A] : memref<3x2x10000x128xf32, #tpu.memory_space<hbm>> -> memref<1x1x624x128xf32, #tpu.memory_space<hbm>>
      %dma_start3A_81 = tpu.memref_squeeze %dma_start3A_80 : memref<1x1x624x128xf32, #tpu.memory_space<hbm>> -> memref<624x128xf32, #tpu.memory_space<hbm>>
      %dma_start3A_82 = arith.constant 0 : i32
      %dma_start3A_83 = tpu.memref_slice %arg13[%mul3A_14, %dma_start3A_82] : memref<10016x128xf32, #tpu.memory_space<vmem_shared>> -> memref<624x128xf32, #tpu.memory_space<vmem_shared>>
      tpu.enqueue_dma source(%dma_start3A_83 : memref<624x128xf32, #tpu.memory_space<vmem_shared>>) target(%dma_start3A_81 : memref<624x128xf32, #tpu.memory_space<hbm>>) target_semaphore(%run_scoped3A_79 : memref<!tpu.dma_semaphore, #tpu.memory_space<semaphore_mem>>)
      %dma_wait3A = arith.constant 0 : i32
      %dma_wait3A_84 = tpu.memref_slice %arg9[%run_scoped3A, %arg0, %mul3A_16, %dma_wait3A] : memref<3x2x10000x128xf32, #tpu.memory_space<hbm>> -> memref<1x1x624x128xf32, #tpu.memory_space<hbm>>
      %dma_wait3A_85 = tpu.memref_squeeze %dma_wait3A_84 : memref<1x1x624x128xf32, #tpu.memory_space<hbm>> -> memref<624x128xf32, #tpu.memory_space<hbm>>
      %dma_wait3A_86 = arith.constant 0 : i32
      %dma_wait3A_87 = tpu.memref_slice %arg13[%mul3A_14, %dma_wait3A_86] : memref<10016x128xf32, #tpu.memory_space<vmem_shared>> -> memref<624x128xf32, #tpu.memory_space<vmem_shared>>
      tpu.wait_dma2 semaphore(%run_scoped3A_79 : memref<!tpu.dma_semaphore, #tpu.memory_space<semaphore_mem>>) src(%dma_wait3A_87 : memref<624x128xf32, #tpu.memory_space<vmem_shared>>) dst(%dma_wait3A_85 : memref<624x128xf32, #tpu.memory_space<hbm>>)
      tpu.yield
    }) : () -> ()
    %eq3A_17 = arith.constant 15 : i32
    %eq3A_18 = arith.cmpi eq, %arg1, %eq3A_17 : i32
    %convert_element_type3A_19 = arith.extui %eq3A_18 : i1 to i32
    %cond3A_20 = arith.constant 0 : i32
    %cond3A_21 = arith.cmpi ne, %convert_element_type3A_19, %cond3A_20 : i32
    scf.if %cond3A_21 {
      %run_scoped3A_79 = arith.constant 0 : i32
      "tpu.region"() ({
        %run_scoped3A_80 = tpu.sem_alloc : memref<!tpu.dma_semaphore, #tpu.memory_space<semaphore_mem>>
        %dma_start3A = arith.constant 9984 : i32
        %dma_start3A_81 = arith.constant 0 : i32
        %dma_start3A_82 = tpu.memref_slice %arg9[%run_scoped3A_79, %arg0, %dma_start3A, %dma_start3A_81] : memref<3x2x10000x128xf32, #tpu.memory_space<hbm>> -> memref<1x1x16x128xf32, #tpu.memory_space<hbm>>
        %dma_start3A_83 = tpu.memref_squeeze %dma_start3A_82 : memref<1x1x16x128xf32, #tpu.memory_space<hbm>> -> memref<16x128xf32, #tpu.memory_space<hbm>>
        %dma_start3A_84 = arith.constant 9984 : i32
        %dma_start3A_85 = arith.constant 0 : i32
        %dma_start3A_86 = tpu.memref_slice %arg13[%dma_start3A_84, %dma_start3A_85] : memref<10016x128xf32, #tpu.memory_space<vmem_shared>> -> memref<16x128xf32, #tpu.memory_space<vmem_shared>>
        tpu.enqueue_dma source(%dma_start3A_86 : memref<16x128xf32, #tpu.memory_space<vmem_shared>>) target(%dma_start3A_83 : memref<16x128xf32, #tpu.memory_space<hbm>>) target_semaphore(%run_scoped3A_80 : memref<!tpu.dma_semaphore, #tpu.memory_space<semaphore_mem>>)
        %dma_wait3A = arith.constant 9984 : i32
        %dma_wait3A_87 = arith.constant 0 : i32
        %dma_wait3A_88 = tpu.memref_slice %arg9[%run_scoped3A_79, %arg0, %dma_wait3A, %dma_wait3A_87] : memref<3x2x10000x128xf32, #tpu.memory_space<hbm>> -> memref<1x1x16x128xf32, #tpu.memory_space<hbm>>
        %dma_wait3A_89 = tpu.memref_squeeze %dma_wait3A_88 : memref<1x1x16x128xf32, #tpu.memory_space<hbm>> -> memref<16x128xf32, #tpu.memory_space<hbm>>
        %dma_wait3A_90 = arith.constant 9984 : i32
        %dma_wait3A_91 = arith.constant 0 : i32
        %dma_wait3A_92 = tpu.memref_slice %arg13[%dma_wait3A_90, %dma_wait3A_91] : memref<10016x128xf32, #tpu.memory_space<vmem_shared>> -> memref<16x128xf32, #tpu.memory_space<vmem_shared>>
        tpu.wait_dma2 semaphore(%run_scoped3A_80 : memref<!tpu.dma_semaphore, #tpu.memory_space<semaphore_mem>>) src(%dma_wait3A_92 : memref<16x128xf32, #tpu.memory_space<vmem_shared>>) dst(%dma_wait3A_89 : memref<16x128xf32, #tpu.memory_space<hbm>>)
        tpu.yield
      }) : () -> ()
    } else {
    }
    %barrier3A_22 = arith.constant 0 : index
    tpu.barrier barrier_id(%barrier3A_22)
    %mul3A_23 = arith.constant 624 : i32
    %mul3A_24 = arith.muli %arg1, %mul3A_23 : i32
    %mul3A_25 = arith.constant 624 : i32
    %mul3A_26 = arith.muli %arg1, %mul3A_25 : i32
    "tpu.region"() ({
      %run_scoped3A_79 = tpu.sem_alloc : memref<!tpu.dma_semaphore, #tpu.memory_space<semaphore_mem>>
      %dma_start3A = arith.constant 0 : i32
      %dma_start3A_80 = tpu.memref_slice %arg13[%mul3A_26, %dma_start3A] : memref<10016x128xf32, #tpu.memory_space<vmem_shared>> -> memref<624x128xf32, #tpu.memory_space<vmem_shared>>
      %dma_start3A_81 = arith.constant 0 : i32
      %dma_start3A_82 = tpu.memref_slice %arg2[%mul3A_24, %dma_start3A_81] : memref<10000x128xf32, #tpu.memory_space<hbm>> -> memref<624x128xf32, #tpu.memory_space<hbm>>
      tpu.enqueue_dma source(%dma_start3A_82 : memref<624x128xf32, #tpu.memory_space<hbm>>) target(%dma_start3A_80 : memref<624x128xf32, #tpu.memory_space<vmem_shared>>) target_semaphore(%run_scoped3A_79 : memref<!tpu.dma_semaphore, #tpu.memory_space<semaphore_mem>>)
      %dma_wait3A = arith.constant 0 : i32
      %dma_wait3A_83 = tpu.memref_slice %arg13[%mul3A_26, %dma_wait3A] : memref<10016x128xf32, #tpu.memory_space<vmem_shared>> -> memref<624x128xf32, #tpu.memory_space<vmem_shared>>
      %dma_wait3A_84 = arith.constant 0 : i32
      %dma_wait3A_85 = tpu.memref_slice %arg2[%mul3A_24, %dma_wait3A_84] : memref<10000x128xf32, #tpu.memory_space<hbm>> -> memref<624x128xf32, #tpu.memory_space<hbm>>
      tpu.wait_dma2 semaphore(%run_scoped3A_79 : memref<!tpu.dma_semaphore, #tpu.memory_space<semaphore_mem>>) src(%dma_wait3A_85 : memref<624x128xf32, #tpu.memory_space<hbm>>) dst(%dma_wait3A_83 : memref<624x128xf32, #tpu.memory_space<vmem_shared>>)
      tpu.yield
    }) : () -> ()
    %eq3A_27 = arith.constant 15 : i32
    %eq3A_28 = arith.cmpi eq, %arg1, %eq3A_27 : i32
    %convert_element_type3A_29 = arith.extui %eq3A_28 : i1 to i32
    %cond3A_30 = arith.constant 0 : i32
    %cond3A_31 = arith.cmpi ne, %convert_element_type3A_29, %cond3A_30 : i32
    scf.if %cond3A_31 {
      "tpu.region"() ({
        %run_scoped3A_79 = tpu.sem_alloc : memref<!tpu.dma_semaphore, #tpu.memory_space<semaphore_mem>>
        %dma_start3A = arith.constant 9984 : i32
        %dma_start3A_80 = arith.constant 0 : i32
        %dma_start3A_81 = tpu.memref_slice %arg13[%dma_start3A, %dma_start3A_80] : memref<10016x128xf32, #tpu.memory_space<vmem_shared>> -> memref<16x128xf32, #tpu.memory_space<vmem_shared>>
        %dma_start3A_82 = arith.constant 9984 : i32
        %dma_start3A_83 = arith.constant 0 : i32
        %dma_start3A_84 = tpu.memref_slice %arg2[%dma_start3A_82, %dma_start3A_83] : memref<10000x128xf32, #tpu.memory_space<hbm>> -> memref<16x128xf32, #tpu.memory_space<hbm>>
        tpu.enqueue_dma source(%dma_start3A_84 : memref<16x128xf32, #tpu.memory_space<hbm>>) target(%dma_start3A_81 : memref<16x128xf32, #tpu.memory_space<vmem_shared>>) target_semaphore(%run_scoped3A_79 : memref<!tpu.dma_semaphore, #tpu.memory_space<semaphore_mem>>)
        %dma_wait3A = arith.constant 9984 : i32
        %dma_wait3A_85 = arith.constant 0 : i32
        %dma_wait3A_86 = tpu.memref_slice %arg13[%dma_wait3A, %dma_wait3A_85] : memref<10016x128xf32, #tpu.memory_space<vmem_shared>> -> memref<16x128xf32, #tpu.memory_space<vmem_shared>>
        %dma_wait3A_87 = arith.constant 9984 : i32
        %dma_wait3A_88 = arith.constant 0 : i32
        %dma_wait3A_89 = tpu.memref_slice %arg2[%dma_wait3A_87, %dma_wait3A_88] : memref<10000x128xf32, #tpu.memory_space<hbm>> -> memref<16x128xf32, #tpu.memory_space<hbm>>
        tpu.wait_dma2 semaphore(%run_scoped3A_79 : memref<!tpu.dma_semaphore, #tpu.memory_space<semaphore_mem>>) src(%dma_wait3A_89 : memref<16x128xf32, #tpu.memory_space<hbm>>) dst(%dma_wait3A_86 : memref<16x128xf32, #tpu.memory_space<vmem_shared>>)
        tpu.yield
      }) : () -> ()
    } else {
    }
    %barrier3A_32 = arith.constant 0 : index
    tpu.barrier barrier_id(%barrier3A_32)
    %scan3A_33 = arith.constant 0 : i32
    %scan3A_34 = arith.constant 0 : i32
    %scan3A_35 = arith.constant 79 : i32
    %scan3A_36 = arith.addi %scan3A_34, %scan3A_35 : i32
    %scan3A_37 = arith.constant 1 : i32
    scf.for %scan3A_79 = %scan3A_34 to %scan3A_36 step %scan3A_37  : i32 {
      %mul3A_80 = arith.constant 79 : i32
      %mul3A_81 = arith.muli %add3A, %mul3A_80 : i32
      %add3A_82 = arith.addi %mul3A_81, %scan3A_79 : i32
      %mul3A_83 = arith.constant 128 : i32
      %mul3A_84 = arith.muli %add3A_82, %mul3A_83 : i32
      "tpu.region"() ({
        %run_scoped3A_89 = tpu.sem_alloc : memref<!tpu.dma_semaphore, #tpu.memory_space<semaphore_mem>>
        %dma_start3A_90 = tpu.memref_slice %arg4[%mul3A_84] : memref<323584xi32, #tpu.memory_space<hbm>> -> memref<128xi32, #tpu.memory_space<hbm>>
        %dma_start3A_91 = tpu.memref_slice %arg4[%mul3A_84] : memref<323584xi32, #tpu.memory_space<hbm>> -> memref<128xi32, #tpu.memory_space<hbm>>
        tpu.enqueue_dma source(%dma_start3A_91 : memref<128xi32, #tpu.memory_space<hbm>>) target(%arg10 : memref<128xi32, #tpu.memory_space<vmem>>) target_semaphore(%run_scoped3A_89 : memref<!tpu.dma_semaphore, #tpu.memory_space<semaphore_mem>>)
        %dma_wait3A_92 = tpu.memref_slice %arg4[%mul3A_84] : memref<323584xi32, #tpu.memory_space<hbm>> -> memref<128xi32, #tpu.memory_space<hbm>>
        %dma_wait3A_93 = tpu.memref_slice %arg4[%mul3A_84] : memref<323584xi32, #tpu.memory_space<hbm>> -> memref<128xi32, #tpu.memory_space<hbm>>
        tpu.wait_dma2 semaphore(%run_scoped3A_89 : memref<!tpu.dma_semaphore, #tpu.memory_space<semaphore_mem>>) src(%dma_wait3A_93 : memref<128xi32, #tpu.memory_space<hbm>>) dst(%arg10 : memref<128xi32, #tpu.memory_space<vmem>>)
        tpu.yield
      }) : () -> ()
      "tpu.region"() ({
        %run_scoped3A_89 = tpu.sem_alloc : memref<!tpu.dma_semaphore, #tpu.memory_space<semaphore_mem>>
        %dma_start3A_90 = tpu.memref_slice %arg7[%mul3A_84] : memref<323584xi32, #tpu.memory_space<hbm>> -> memref<128xi32, #tpu.memory_space<hbm>>
        %dma_start3A_91 = tpu.memref_slice %arg7[%mul3A_84] : memref<323584xi32, #tpu.memory_space<hbm>> -> memref<128xi32, #tpu.memory_space<hbm>>
        tpu.enqueue_dma source(%dma_start3A_91 : memref<128xi32, #tpu.memory_space<hbm>>) target(%arg11 : memref<128xi32, #tpu.memory_space<vmem>>) target_semaphore(%run_scoped3A_89 : memref<!tpu.dma_semaphore, #tpu.memory_space<semaphore_mem>>)
        %dma_wait3A_92 = tpu.memref_slice %arg7[%mul3A_84] : memref<323584xi32, #tpu.memory_space<hbm>> -> memref<128xi32, #tpu.memory_space<hbm>>
        %dma_wait3A_93 = tpu.memref_slice %arg7[%mul3A_84] : memref<323584xi32, #tpu.memory_space<hbm>> -> memref<128xi32, #tpu.memory_space<hbm>>
        tpu.wait_dma2 semaphore(%run_scoped3A_89 : memref<!tpu.dma_semaphore, #tpu.memory_space<semaphore_mem>>) src(%dma_wait3A_93 : memref<128xi32, #tpu.memory_space<hbm>>) dst(%arg11 : memref<128xi32, #tpu.memory_space<vmem>>)
        tpu.yield
      }) : () -> ()
      %dma_start3A = arith.constant 0 : i32
      %dma_start3A_85 = arith.constant 0 : i32
      %dma_start3A_86 = tpu.memref_slice %arg2[%dma_start3A, %dma_start3A_85] : memref<10000x128xf32, #tpu.memory_space<hbm>> -> memref<10000x128xf32, #tpu.memory_space<hbm>>
      tpu.enqueue_indirect_dma source(%dma_start3A_86 : memref<10000x128xf32, #tpu.memory_space<hbm>>) target(%arg12 : memref<128x128xf32, #tpu.memory_space<vmem>>) offsets(%arg10 : memref<128xi32, #tpu.memory_space<vmem>>) semaphore(%arg14 : memref<!tpu.dma_semaphore, #tpu.memory_space<semaphore_mem>>)
      %dma_wait3A = arith.constant 0 : i32
      %dma_wait3A_87 = arith.constant 0 : i32
      %dma_wait3A_88 = tpu.memref_slice %arg2[%dma_wait3A, %dma_wait3A_87] : memref<10000x128xf32, #tpu.memory_space<hbm>> -> memref<10000x128xf32, #tpu.memory_space<hbm>>
      tpu.wait_indirect_dma semaphore(%arg14 : memref<!tpu.dma_semaphore, #tpu.memory_space<semaphore_mem>>) src(%dma_wait3A_88 : memref<10000x128xf32, #tpu.memory_space<hbm>>) dst(%arg12 : memref<128x128xf32, #tpu.memory_space<vmem>>)
      "tpu.region"() ({
        %run_scoped3A_89 = tpu.sem_alloc : memref<!tpu.dma_semaphore, #tpu.memory_space<semaphore_mem>>
        %dma_start3A_90 = arith.constant 0 : i32
        %dma_start3A_91 = arith.constant 0 : i32
        %dma_start3A_92 = tpu.memref_slice %arg13[%dma_start3A_90, %dma_start3A_91] : memref<10016x128xf32, #tpu.memory_space<vmem_shared>> -> memref<10016x128xf32, #tpu.memory_space<vmem_shared>>
        tpu.enqueue_indirect_dma source(%arg12 : memref<128x128xf32, #tpu.memory_space<vmem>>) target(%dma_start3A_92 : memref<10016x128xf32, #tpu.memory_space<vmem_shared>>) offsets(%arg11 : memref<128xi32, #tpu.memory_space<vmem>>) semaphore(%run_scoped3A_89 : memref<!tpu.dma_semaphore, #tpu.memory_space<semaphore_mem>>) {add = true}
        %dma_wait3A_93 = arith.constant 0 : i32
        %dma_wait3A_94 = arith.constant 0 : i32
        %dma_wait3A_95 = tpu.memref_slice %arg13[%dma_wait3A_93, %dma_wait3A_94] : memref<10016x128xf32, #tpu.memory_space<vmem_shared>> -> memref<10016x128xf32, #tpu.memory_space<vmem_shared>>
        tpu.wait_indirect_dma semaphore(%run_scoped3A_89 : memref<!tpu.dma_semaphore, #tpu.memory_space<semaphore_mem>>) src(%arg12 : memref<128x128xf32, #tpu.memory_space<vmem>>) dst(%dma_wait3A_95 : memref<10016x128xf32, #tpu.memory_space<vmem_shared>>)
        tpu.yield
      }) : () -> ()
    }
    %scan3A_38 = arith.constant 79 : i32
    %barrier3A_39 = arith.constant 0 : index
    tpu.barrier barrier_id(%barrier3A_39)
    %mul3A_40 = arith.constant 624 : i32
    %mul3A_41 = arith.muli %arg1, %mul3A_40 : i32
    %mul3A_42 = arith.constant 624 : i32
    %mul3A_43 = arith.muli %arg1, %mul3A_42 : i32
    %run_scoped3A_44 = arith.constant 1 : i32
    "tpu.region"() ({
      %run_scoped3A_79 = tpu.sem_alloc : memref<!tpu.dma_semaphore, #tpu.memory_space<semaphore_mem>>
      %dma_start3A = arith.constant 0 : i32
      %dma_start3A_80 = tpu.memref_slice %arg9[%run_scoped3A_44, %arg0, %mul3A_43, %dma_start3A] : memref<3x2x10000x128xf32, #tpu.memory_space<hbm>> -> memref<1x1x624x128xf32, #tpu.memory_space<hbm>>
      %dma_start3A_81 = tpu.memref_squeeze %dma_start3A_80 : memref<1x1x624x128xf32, #tpu.memory_space<hbm>> -> memref<624x128xf32, #tpu.memory_space<hbm>>
      %dma_start3A_82 = arith.constant 0 : i32
      %dma_start3A_83 = tpu.memref_slice %arg13[%mul3A_41, %dma_start3A_82] : memref<10016x128xf32, #tpu.memory_space<vmem_shared>> -> memref<624x128xf32, #tpu.memory_space<vmem_shared>>
      tpu.enqueue_dma source(%dma_start3A_83 : memref<624x128xf32, #tpu.memory_space<vmem_shared>>) target(%dma_start3A_81 : memref<624x128xf32, #tpu.memory_space<hbm>>) target_semaphore(%run_scoped3A_79 : memref<!tpu.dma_semaphore, #tpu.memory_space<semaphore_mem>>)
      %dma_wait3A = arith.constant 0 : i32
      %dma_wait3A_84 = tpu.memref_slice %arg9[%run_scoped3A_44, %arg0, %mul3A_43, %dma_wait3A] : memref<3x2x10000x128xf32, #tpu.memory_space<hbm>> -> memref<1x1x624x128xf32, #tpu.memory_space<hbm>>
      %dma_wait3A_85 = tpu.memref_squeeze %dma_wait3A_84 : memref<1x1x624x128xf32, #tpu.memory_space<hbm>> -> memref<624x128xf32, #tpu.memory_space<hbm>>
      %dma_wait3A_86 = arith.constant 0 : i32
      %dma_wait3A_87 = tpu.memref_slice %arg13[%mul3A_41, %dma_wait3A_86] : memref<10016x128xf32, #tpu.memory_space<vmem_shared>> -> memref<624x128xf32, #tpu.memory_space<vmem_shared>>
      tpu.wait_dma2 semaphore(%run_scoped3A_79 : memref<!tpu.dma_semaphore, #tpu.memory_space<semaphore_mem>>) src(%dma_wait3A_87 : memref<624x128xf32, #tpu.memory_space<vmem_shared>>) dst(%dma_wait3A_85 : memref<624x128xf32, #tpu.memory_space<hbm>>)
      tpu.yield
    }) : () -> ()
    %eq3A_45 = arith.constant 15 : i32
    %eq3A_46 = arith.cmpi eq, %arg1, %eq3A_45 : i32
    %convert_element_type3A_47 = arith.extui %eq3A_46 : i1 to i32
    %cond3A_48 = arith.constant 0 : i32
    %cond3A_49 = arith.cmpi ne, %convert_element_type3A_47, %cond3A_48 : i32
    scf.if %cond3A_49 {
      %run_scoped3A_79 = arith.constant 1 : i32
      "tpu.region"() ({
        %run_scoped3A_80 = tpu.sem_alloc : memref<!tpu.dma_semaphore, #tpu.memory_space<semaphore_mem>>
        %dma_start3A = arith.constant 9984 : i32
        %dma_start3A_81 = arith.constant 0 : i32
        %dma_start3A_82 = tpu.memref_slice %arg9[%run_scoped3A_79, %arg0, %dma_start3A, %dma_start3A_81] : memref<3x2x10000x128xf32, #tpu.memory_space<hbm>> -> memref<1x1x16x128xf32, #tpu.memory_space<hbm>>
        %dma_start3A_83 = tpu.memref_squeeze %dma_start3A_82 : memref<1x1x16x128xf32, #tpu.memory_space<hbm>> -> memref<16x128xf32, #tpu.memory_space<hbm>>
        %dma_start3A_84 = arith.constant 9984 : i32
        %dma_start3A_85 = arith.constant 0 : i32
        %dma_start3A_86 = tpu.memref_slice %arg13[%dma_start3A_84, %dma_start3A_85] : memref<10016x128xf32, #tpu.memory_space<vmem_shared>> -> memref<16x128xf32, #tpu.memory_space<vmem_shared>>
        tpu.enqueue_dma source(%dma_start3A_86 : memref<16x128xf32, #tpu.memory_space<vmem_shared>>) target(%dma_start3A_83 : memref<16x128xf32, #tpu.memory_space<hbm>>) target_semaphore(%run_scoped3A_80 : memref<!tpu.dma_semaphore, #tpu.memory_space<semaphore_mem>>)
        %dma_wait3A = arith.constant 9984 : i32
        %dma_wait3A_87 = arith.constant 0 : i32
        %dma_wait3A_88 = tpu.memref_slice %arg9[%run_scoped3A_79, %arg0, %dma_wait3A, %dma_wait3A_87] : memref<3x2x10000x128xf32, #tpu.memory_space<hbm>> -> memref<1x1x16x128xf32, #tpu.memory_space<hbm>>
        %dma_wait3A_89 = tpu.memref_squeeze %dma_wait3A_88 : memref<1x1x16x128xf32, #tpu.memory_space<hbm>> -> memref<16x128xf32, #tpu.memory_space<hbm>>
        %dma_wait3A_90 = arith.constant 9984 : i32
        %dma_wait3A_91 = arith.constant 0 : i32
        %dma_wait3A_92 = tpu.memref_slice %arg13[%dma_wait3A_90, %dma_wait3A_91] : memref<10016x128xf32, #tpu.memory_space<vmem_shared>> -> memref<16x128xf32, #tpu.memory_space<vmem_shared>>
        tpu.wait_dma2 semaphore(%run_scoped3A_80 : memref<!tpu.dma_semaphore, #tpu.memory_space<semaphore_mem>>) src(%dma_wait3A_92 : memref<16x128xf32, #tpu.memory_space<vmem_shared>>) dst(%dma_wait3A_89 : memref<16x128xf32, #tpu.memory_space<hbm>>)
        tpu.yield
      }) : () -> ()
    } else {
    }
    %barrier3A_50 = arith.constant 0 : index
    tpu.barrier barrier_id(%barrier3A_50)
    %mul3A_51 = arith.constant 624 : i32
    %mul3A_52 = arith.muli %arg1, %mul3A_51 : i32
    %mul3A_53 = arith.constant 624 : i32
    %mul3A_54 = arith.muli %arg1, %mul3A_53 : i32
    "tpu.region"() ({
      %run_scoped3A_79 = tpu.sem_alloc : memref<!tpu.dma_semaphore, #tpu.memory_space<semaphore_mem>>
      %dma_start3A = arith.constant 0 : i32
      %dma_start3A_80 = tpu.memref_slice %arg13[%mul3A_54, %dma_start3A] : memref<10016x128xf32, #tpu.memory_space<vmem_shared>> -> memref<624x128xf32, #tpu.memory_space<vmem_shared>>
      %dma_start3A_81 = arith.constant 0 : i32
      %dma_start3A_82 = tpu.memref_slice %arg2[%mul3A_52, %dma_start3A_81] : memref<10000x128xf32, #tpu.memory_space<hbm>> -> memref<624x128xf32, #tpu.memory_space<hbm>>
      tpu.enqueue_dma source(%dma_start3A_82 : memref<624x128xf32, #tpu.memory_space<hbm>>) target(%dma_start3A_80 : memref<624x128xf32, #tpu.memory_space<vmem_shared>>) target_semaphore(%run_scoped3A_79 : memref<!tpu.dma_semaphore, #tpu.memory_space<semaphore_mem>>)
      %dma_wait3A = arith.constant 0 : i32
      %dma_wait3A_83 = tpu.memref_slice %arg13[%mul3A_54, %dma_wait3A] : memref<10016x128xf32, #tpu.memory_space<vmem_shared>> -> memref<624x128xf32, #tpu.memory_space<vmem_shared>>
      %dma_wait3A_84 = arith.constant 0 : i32
      %dma_wait3A_85 = tpu.memref_slice %arg2[%mul3A_52, %dma_wait3A_84] : memref<10000x128xf32, #tpu.memory_space<hbm>> -> memref<624x128xf32, #tpu.memory_space<hbm>>
      tpu.wait_dma2 semaphore(%run_scoped3A_79 : memref<!tpu.dma_semaphore, #tpu.memory_space<semaphore_mem>>) src(%dma_wait3A_85 : memref<624x128xf32, #tpu.memory_space<hbm>>) dst(%dma_wait3A_83 : memref<624x128xf32, #tpu.memory_space<vmem_shared>>)
      tpu.yield
    }) : () -> ()
    %eq3A_55 = arith.constant 15 : i32
    %eq3A_56 = arith.cmpi eq, %arg1, %eq3A_55 : i32
    %convert_element_type3A_57 = arith.extui %eq3A_56 : i1 to i32
    %cond3A_58 = arith.constant 0 : i32
    %cond3A_59 = arith.cmpi ne, %convert_element_type3A_57, %cond3A_58 : i32
    scf.if %cond3A_59 {
      "tpu.region"() ({
        %run_scoped3A_79 = tpu.sem_alloc : memref<!tpu.dma_semaphore, #tpu.memory_space<semaphore_mem>>
        %dma_start3A = arith.constant 9984 : i32
        %dma_start3A_80 = arith.constant 0 : i32
        %dma_start3A_81 = tpu.memref_slice %arg13[%dma_start3A, %dma_start3A_80] : memref<10016x128xf32, #tpu.memory_space<vmem_shared>> -> memref<16x128xf32, #tpu.memory_space<vmem_shared>>
        %dma_start3A_82 = arith.constant 9984 : i32
        %dma_start3A_83 = arith.constant 0 : i32
        %dma_start3A_84 = tpu.memref_slice %arg2[%dma_start3A_82, %dma_start3A_83] : memref<10000x128xf32, #tpu.memory_space<hbm>> -> memref<16x128xf32, #tpu.memory_space<hbm>>
        tpu.enqueue_dma source(%dma_start3A_84 : memref<16x128xf32, #tpu.memory_space<hbm>>) target(%dma_start3A_81 : memref<16x128xf32, #tpu.memory_space<vmem_shared>>) target_semaphore(%run_scoped3A_79 : memref<!tpu.dma_semaphore, #tpu.memory_space<semaphore_mem>>)
        %dma_wait3A = arith.constant 9984 : i32
        %dma_wait3A_85 = arith.constant 0 : i32
        %dma_wait3A_86 = tpu.memref_slice %arg13[%dma_wait3A, %dma_wait3A_85] : memref<10016x128xf32, #tpu.memory_space<vmem_shared>> -> memref<16x128xf32, #tpu.memory_space<vmem_shared>>
        %dma_wait3A_87 = arith.constant 9984 : i32
        %dma_wait3A_88 = arith.constant 0 : i32
        %dma_wait3A_89 = tpu.memref_slice %arg2[%dma_wait3A_87, %dma_wait3A_88] : memref<10000x128xf32, #tpu.memory_space<hbm>> -> memref<16x128xf32, #tpu.memory_space<hbm>>
        tpu.wait_dma2 semaphore(%run_scoped3A_79 : memref<!tpu.dma_semaphore, #tpu.memory_space<semaphore_mem>>) src(%dma_wait3A_89 : memref<16x128xf32, #tpu.memory_space<hbm>>) dst(%dma_wait3A_86 : memref<16x128xf32, #tpu.memory_space<vmem_shared>>)
        tpu.yield
      }) : () -> ()
    } else {
    }
    %barrier3A_60 = arith.constant 0 : index
    tpu.barrier barrier_id(%barrier3A_60)
    %scan3A_61 = arith.constant 0 : i32
    %scan3A_62 = arith.constant 0 : i32
    %scan3A_63 = arith.constant 79 : i32
    %scan3A_64 = arith.addi %scan3A_62, %scan3A_63 : i32
    %scan3A_65 = arith.constant 1 : i32
    scf.for %scan3A_79 = %scan3A_62 to %scan3A_64 step %scan3A_65  : i32 {
      %mul3A_80 = arith.constant 79 : i32
      %mul3A_81 = arith.muli %add3A, %mul3A_80 : i32
      %add3A_82 = arith.addi %mul3A_81, %scan3A_79 : i32
      %mul3A_83 = arith.constant 128 : i32
      %mul3A_84 = arith.muli %add3A_82, %mul3A_83 : i32
      "tpu.region"() ({
        %run_scoped3A_89 = tpu.sem_alloc : memref<!tpu.dma_semaphore, #tpu.memory_space<semaphore_mem>>
        %dma_start3A_90 = tpu.memref_slice %arg5[%mul3A_84] : memref<323584xi32, #tpu.memory_space<hbm>> -> memref<128xi32, #tpu.memory_space<hbm>>
        %dma_start3A_91 = tpu.memref_slice %arg5[%mul3A_84] : memref<323584xi32, #tpu.memory_space<hbm>> -> memref<128xi32, #tpu.memory_space<hbm>>
        tpu.enqueue_dma source(%dma_start3A_91 : memref<128xi32, #tpu.memory_space<hbm>>) target(%arg10 : memref<128xi32, #tpu.memory_space<vmem>>) target_semaphore(%run_scoped3A_89 : memref<!tpu.dma_semaphore, #tpu.memory_space<semaphore_mem>>)
        %dma_wait3A_92 = tpu.memref_slice %arg5[%mul3A_84] : memref<323584xi32, #tpu.memory_space<hbm>> -> memref<128xi32, #tpu.memory_space<hbm>>
        %dma_wait3A_93 = tpu.memref_slice %arg5[%mul3A_84] : memref<323584xi32, #tpu.memory_space<hbm>> -> memref<128xi32, #tpu.memory_space<hbm>>
        tpu.wait_dma2 semaphore(%run_scoped3A_89 : memref<!tpu.dma_semaphore, #tpu.memory_space<semaphore_mem>>) src(%dma_wait3A_93 : memref<128xi32, #tpu.memory_space<hbm>>) dst(%arg10 : memref<128xi32, #tpu.memory_space<vmem>>)
        tpu.yield
      }) : () -> ()
      "tpu.region"() ({
        %run_scoped3A_89 = tpu.sem_alloc : memref<!tpu.dma_semaphore, #tpu.memory_space<semaphore_mem>>
        %dma_start3A_90 = tpu.memref_slice %arg8[%mul3A_84] : memref<323584xi32, #tpu.memory_space<hbm>> -> memref<128xi32, #tpu.memory_space<hbm>>
        %dma_start3A_91 = tpu.memref_slice %arg8[%mul3A_84] : memref<323584xi32, #tpu.memory_space<hbm>> -> memref<128xi32, #tpu.memory_space<hbm>>
        tpu.enqueue_dma source(%dma_start3A_91 : memref<128xi32, #tpu.memory_space<hbm>>) target(%arg11 : memref<128xi32, #tpu.memory_space<vmem>>) target_semaphore(%run_scoped3A_89 : memref<!tpu.dma_semaphore, #tpu.memory_space<semaphore_mem>>)
        %dma_wait3A_92 = tpu.memref_slice %arg8[%mul3A_84] : memref<323584xi32, #tpu.memory_space<hbm>> -> memref<128xi32, #tpu.memory_space<hbm>>
        %dma_wait3A_93 = tpu.memref_slice %arg8[%mul3A_84] : memref<323584xi32, #tpu.memory_space<hbm>> -> memref<128xi32, #tpu.memory_space<hbm>>
        tpu.wait_dma2 semaphore(%run_scoped3A_89 : memref<!tpu.dma_semaphore, #tpu.memory_space<semaphore_mem>>) src(%dma_wait3A_93 : memref<128xi32, #tpu.memory_space<hbm>>) dst(%arg11 : memref<128xi32, #tpu.memory_space<vmem>>)
        tpu.yield
      }) : () -> ()
      %dma_start3A = arith.constant 0 : i32
      %dma_start3A_85 = arith.constant 0 : i32
      %dma_start3A_86 = tpu.memref_slice %arg2[%dma_start3A, %dma_start3A_85] : memref<10000x128xf32, #tpu.memory_space<hbm>> -> memref<10000x128xf32, #tpu.memory_space<hbm>>
      tpu.enqueue_indirect_dma source(%dma_start3A_86 : memref<10000x128xf32, #tpu.memory_space<hbm>>) target(%arg12 : memref<128x128xf32, #tpu.memory_space<vmem>>) offsets(%arg10 : memref<128xi32, #tpu.memory_space<vmem>>) semaphore(%arg14 : memref<!tpu.dma_semaphore, #tpu.memory_space<semaphore_mem>>)
      %dma_wait3A = arith.constant 0 : i32
      %dma_wait3A_87 = arith.constant 0 : i32
      %dma_wait3A_88 = tpu.memref_slice %arg2[%dma_wait3A, %dma_wait3A_87] : memref<10000x128xf32, #tpu.memory_space<hbm>> -> memref<10000x128xf32, #tpu.memory_space<hbm>>
      tpu.wait_indirect_dma semaphore(%arg14 : memref<!tpu.dma_semaphore, #tpu.memory_space<semaphore_mem>>) src(%dma_wait3A_88 : memref<10000x128xf32, #tpu.memory_space<hbm>>) dst(%arg12 : memref<128x128xf32, #tpu.memory_space<vmem>>)
      "tpu.region"() ({
        %run_scoped3A_89 = tpu.sem_alloc : memref<!tpu.dma_semaphore, #tpu.memory_space<semaphore_mem>>
        %dma_start3A_90 = arith.constant 0 : i32
        %dma_start3A_91 = arith.constant 0 : i32
        %dma_start3A_92 = tpu.memref_slice %arg13[%dma_start3A_90, %dma_start3A_91] : memref<10016x128xf32, #tpu.memory_space<vmem_shared>> -> memref<10016x128xf32, #tpu.memory_space<vmem_shared>>
        tpu.enqueue_indirect_dma source(%arg12 : memref<128x128xf32, #tpu.memory_space<vmem>>) target(%dma_start3A_92 : memref<10016x128xf32, #tpu.memory_space<vmem_shared>>) offsets(%arg11 : memref<128xi32, #tpu.memory_space<vmem>>) semaphore(%run_scoped3A_89 : memref<!tpu.dma_semaphore, #tpu.memory_space<semaphore_mem>>) {add = true}
        %dma_wait3A_93 = arith.constant 0 : i32
        %dma_wait3A_94 = arith.constant 0 : i32
        %dma_wait3A_95 = tpu.memref_slice %arg13[%dma_wait3A_93, %dma_wait3A_94] : memref<10016x128xf32, #tpu.memory_space<vmem_shared>> -> memref<10016x128xf32, #tpu.memory_space<vmem_shared>>
        tpu.wait_indirect_dma semaphore(%run_scoped3A_89 : memref<!tpu.dma_semaphore, #tpu.memory_space<semaphore_mem>>) src(%arg12 : memref<128x128xf32, #tpu.memory_space<vmem>>) dst(%dma_wait3A_95 : memref<10016x128xf32, #tpu.memory_space<vmem_shared>>)
        tpu.yield
      }) : () -> ()
    }
    %scan3A_66 = arith.constant 79 : i32
    %barrier3A_67 = arith.constant 0 : index
    tpu.barrier barrier_id(%barrier3A_67)
    %mul3A_68 = arith.constant 624 : i32
    %mul3A_69 = arith.muli %arg1, %mul3A_68 : i32
    %mul3A_70 = arith.constant 624 : i32
    %mul3A_71 = arith.muli %arg1, %mul3A_70 : i32
    %run_scoped3A_72 = arith.constant 2 : i32
    "tpu.region"() ({
      %run_scoped3A_79 = tpu.sem_alloc : memref<!tpu.dma_semaphore, #tpu.memory_space<semaphore_mem>>
      %dma_start3A = arith.constant 0 : i32
      %dma_start3A_80 = tpu.memref_slice %arg9[%run_scoped3A_72, %arg0, %mul3A_71, %dma_start3A] : memref<3x2x10000x128xf32, #tpu.memory_space<hbm>> -> memref<1x1x624x128xf32, #tpu.memory_space<hbm>>
      %dma_start3A_81 = tpu.memref_squeeze %dma_start3A_80 : memref<1x1x624x128xf32, #tpu.memory_space<hbm>> -> memref<624x128xf32, #tpu.memory_space<hbm>>
      %dma_start3A_82 = arith.constant 0 : i32
      %dma_start3A_83 = tpu.memref_slice %arg13[%mul3A_69, %dma_start3A_82] : memref<10016x128xf32, #tpu.memory_space<vmem_shared>> -> memref<624x128xf32, #tpu.memory_space<vmem_shared>>
      tpu.enqueue_dma source(%dma_start3A_83 : memref<624x128xf32, #tpu.memory_space<vmem_shared>>) target(%dma_start3A_81 : memref<624x128xf32, #tpu.memory_space<hbm>>) target_semaphore(%run_scoped3A_79 : memref<!tpu.dma_semaphore, #tpu.memory_space<semaphore_mem>>)
      %dma_wait3A = arith.constant 0 : i32
      %dma_wait3A_84 = tpu.memref_slice %arg9[%run_scoped3A_72, %arg0, %mul3A_71, %dma_wait3A] : memref<3x2x10000x128xf32, #tpu.memory_space<hbm>> -> memref<1x1x624x128xf32, #tpu.memory_space<hbm>>
      %dma_wait3A_85 = tpu.memref_squeeze %dma_wait3A_84 : memref<1x1x624x128xf32, #tpu.memory_space<hbm>> -> memref<624x128xf32, #tpu.memory_space<hbm>>
      %dma_wait3A_86 = arith.constant 0 : i32
      %dma_wait3A_87 = tpu.memref_slice %arg13[%mul3A_69, %dma_wait3A_86] : memref<10016x128xf32, #tpu.memory_space<vmem_shared>> -> memref<624x128xf32, #tpu.memory_space<vmem_shared>>
      tpu.wait_dma2 semaphore(%run_scoped3A_79 : memref<!tpu.dma_semaphore, #tpu.memory_space<semaphore_mem>>) src(%dma_wait3A_87 : memref<624x128xf32, #tpu.memory_space<vmem_shared>>) dst(%dma_wait3A_85 : memref<624x128xf32, #tpu.memory_space<hbm>>)
      tpu.yield
    }) : () -> ()
    %eq3A_73 = arith.constant 15 : i32
    %eq3A_74 = arith.cmpi eq, %arg1, %eq3A_73 : i32
    %convert_element_type3A_75 = arith.extui %eq3A_74 : i1 to i32
    %cond3A_76 = arith.constant 0 : i32
    %cond3A_77 = arith.cmpi ne, %convert_element_type3A_75, %cond3A_76 : i32
    scf.if %cond3A_77 {
      %run_scoped3A_79 = arith.constant 2 : i32
      "tpu.region"() ({
        %run_scoped3A_80 = tpu.sem_alloc : memref<!tpu.dma_semaphore, #tpu.memory_space<semaphore_mem>>
        %dma_start3A = arith.constant 9984 : i32
        %dma_start3A_81 = arith.constant 0 : i32
        %dma_start3A_82 = tpu.memref_slice %arg9[%run_scoped3A_79, %arg0, %dma_start3A, %dma_start3A_81] : memref<3x2x10000x128xf32, #tpu.memory_space<hbm>> -> memref<1x1x16x128xf32, #tpu.memory_space<hbm>>
        %dma_start3A_83 = tpu.memref_squeeze %dma_start3A_82 : memref<1x1x16x128xf32, #tpu.memory_space<hbm>> -> memref<16x128xf32, #tpu.memory_space<hbm>>
        %dma_start3A_84 = arith.constant 9984 : i32
        %dma_start3A_85 = arith.constant 0 : i32
        %dma_start3A_86 = tpu.memref_slice %arg13[%dma_start3A_84, %dma_start3A_85] : memref<10016x128xf32, #tpu.memory_space<vmem_shared>> -> memref<16x128xf32, #tpu.memory_space<vmem_shared>>
        tpu.enqueue_dma source(%dma_start3A_86 : memref<16x128xf32, #tpu.memory_space<vmem_shared>>) target(%dma_start3A_83 : memref<16x128xf32, #tpu.memory_space<hbm>>) target_semaphore(%run_scoped3A_80 : memref<!tpu.dma_semaphore, #tpu.memory_space<semaphore_mem>>)
        %dma_wait3A = arith.constant 9984 : i32
        %dma_wait3A_87 = arith.constant 0 : i32
        %dma_wait3A_88 = tpu.memref_slice %arg9[%run_scoped3A_79, %arg0, %dma_wait3A, %dma_wait3A_87] : memref<3x2x10000x128xf32, #tpu.memory_space<hbm>> -> memref<1x1x16x128xf32, #tpu.memory_space<hbm>>
        %dma_wait3A_89 = tpu.memref_squeeze %dma_wait3A_88 : memref<1x1x16x128xf32, #tpu.memory_space<hbm>> -> memref<16x128xf32, #tpu.memory_space<hbm>>
        %dma_wait3A_90 = arith.constant 9984 : i32
        %dma_wait3A_91 = arith.constant 0 : i32
        %dma_wait3A_92 = tpu.memref_slice %arg13[%dma_wait3A_90, %dma_wait3A_91] : memref<10016x128xf32, #tpu.memory_space<vmem_shared>> -> memref<16x128xf32, #tpu.memory_space<vmem_shared>>
        tpu.wait_dma2 semaphore(%run_scoped3A_80 : memref<!tpu.dma_semaphore, #tpu.memory_space<semaphore_mem>>) src(%dma_wait3A_92 : memref<16x128xf32, #tpu.memory_space<vmem_shared>>) dst(%dma_wait3A_89 : memref<16x128xf32, #tpu.memory_space<hbm>>)
        tpu.yield
      }) : () -> ()
    } else {
    }
    %barrier3A_78 = arith.constant 0 : index
    tpu.barrier barrier_id(%barrier3A_78)
    return
  }
}

#map = affine_map<(d0, d1) -> (0, 0)>
#map1 = affine_map<(d0, d1) -> (0)>
#map2 = affine_map<(d0, d1) -> (0, 0, 0, 0)>
module attributes {stable_mosaic.version = 14 : i64} {
  func.func @_sc_agg_body(%arg0: i32, %arg1: i32, %arg2: memref<10000x128xf32, #tpu.memory_space<hbm>>, %arg3: memref<323584xi32, #tpu.memory_space<hbm>>, %arg4: memref<323584xi32, #tpu.memory_space<hbm>>, %arg5: memref<323584xi32, #tpu.memory_space<hbm>>, %arg6: memref<323584xi32, #tpu.memory_space<hbm>>, %arg7: memref<323584xi32, #tpu.memory_space<hbm>>, %arg8: memref<323584xi32, #tpu.memory_space<hbm>>, %arg9: memref<3x2x10000x128xf32, #tpu.memory_space<hbm>>, %arg10: memref<128xi32, #tpu.memory_space<vmem>>, %arg11: memref<128xi32, #tpu.memory_space<vmem>>, %arg12: memref<128x128xf32, #tpu.memory_space<vmem>>, %arg13: memref<10016x128xf32, #tpu.memory_space<vmem_shared>>, %arg14: memref<!tpu.dma_semaphore, #tpu.memory_space<semaphore_mem>>) attributes {dimension_semantics = [#tpu.dimension_semantics<core_parallel>, #tpu.dimension_semantics<subcore_parallel>], iteration_bounds = array<i64: 2, 16>, scalar_prefetch = 0 : i64, scratch_operands = 5 : i64, tpu.core_type = #tpu.core_type<sc_vector_subcore>, window_params = [{transform_indices = #map}, {transform_indices = #map1}, {transform_indices = #map1}, {transform_indices = #map1}, {transform_indices = #map1}, {transform_indices = #map1}, {transform_indices = #map1}, {transform_indices = #map2}]} {
    %mul3A = arith.constant 2 : i32
    %mul3A_0 = arith.muli %arg1, %mul3A : i32
    %add3A = arith.addi %mul3A_0, %arg0 : i32
    %mul3A_1 = arith.constant 624 : i32
    %mul3A_2 = arith.muli %arg1, %mul3A_1 : i32
    %mul3A_3 = arith.constant 624 : i32
    %mul3A_4 = arith.muli %arg1, %mul3A_3 : i32
    "tpu.region"() ({
      %run_scoped3A_79 = tpu.sem_alloc : memref<!tpu.dma_semaphore, #tpu.memory_space<semaphore_mem>>
      %dma_start3A = arith.constant 0 : i32
      %dma_start3A_80 = tpu.memref_slice %arg13[%mul3A_4, %dma_start3A] : memref<10016x128xf32, #tpu.memory_space<vmem_shared>> -> memref<624x128xf32, #tpu.memory_space<vmem_shared>>
      %dma_start3A_81 = arith.constant 0 : i32
      %dma_start3A_82 = tpu.memref_slice %arg2[%mul3A_2, %dma_start3A_81] : memref<10000x128xf32, #tpu.memory_space<hbm>> -> memref<624x128xf32, #tpu.memory_space<hbm>>
      tpu.enqueue_dma source(%dma_start3A_82 : memref<624x128xf32, #tpu.memory_space<hbm>>) target(%dma_start3A_80 : memref<624x128xf32, #tpu.memory_space<vmem_shared>>) target_semaphore(%run_scoped3A_79 : memref<!tpu.dma_semaphore, #tpu.memory_space<semaphore_mem>>)
      %dma_wait3A = arith.constant 0 : i32
      %dma_wait3A_83 = tpu.memref_slice %arg13[%mul3A_4, %dma_wait3A] : memref<10016x128xf32, #tpu.memory_space<vmem_shared>> -> memref<624x128xf32, #tpu.memory_space<vmem_shared>>
      %dma_wait3A_84 = arith.constant 0 : i32
      %dma_wait3A_85 = tpu.memref_slice %arg2[%mul3A_2, %dma_wait3A_84] : memref<10000x128xf32, #tpu.memory_space<hbm>> -> memref<624x128xf32, #tpu.memory_space<hbm>>
      tpu.wait_dma2 semaphore(%run_scoped3A_79 : memref<!tpu.dma_semaphore, #tpu.memory_space<semaphore_mem>>) src(%dma_wait3A_85 : memref<624x128xf32, #tpu.memory_space<hbm>>) dst(%dma_wait3A_83 : memref<624x128xf32, #tpu.memory_space<vmem_shared>>)
      tpu.yield
    }) : () -> ()
    %eq3A = arith.constant 15 : i32
    %eq3A_5 = arith.cmpi eq, %arg1, %eq3A : i32
    %convert_element_type3A = arith.extui %eq3A_5 : i1 to i32
    %cond3A = arith.constant 0 : i32
    %cond3A_6 = arith.cmpi ne, %convert_element_type3A, %cond3A : i32
    scf.if %cond3A_6 {
      "tpu.region"() ({
        %run_scoped3A_79 = tpu.sem_alloc : memref<!tpu.dma_semaphore, #tpu.memory_space<semaphore_mem>>
        %dma_start3A = arith.constant 9984 : i32
        %dma_start3A_80 = arith.constant 0 : i32
        %dma_start3A_81 = tpu.memref_slice %arg13[%dma_start3A, %dma_start3A_80] : memref<10016x128xf32, #tpu.memory_space<vmem_shared>> -> memref<16x128xf32, #tpu.memory_space<vmem_shared>>
        %dma_start3A_82 = arith.constant 9984 : i32
        %dma_start3A_83 = arith.constant 0 : i32
        %dma_start3A_84 = tpu.memref_slice %arg2[%dma_start3A_82, %dma_start3A_83] : memref<10000x128xf32, #tpu.memory_space<hbm>> -> memref<16x128xf32, #tpu.memory_space<hbm>>
        tpu.enqueue_dma source(%dma_start3A_84 : memref<16x128xf32, #tpu.memory_space<hbm>>) target(%dma_start3A_81 : memref<16x128xf32, #tpu.memory_space<vmem_shared>>) target_semaphore(%run_scoped3A_79 : memref<!tpu.dma_semaphore, #tpu.memory_space<semaphore_mem>>)
        %dma_wait3A = arith.constant 9984 : i32
        %dma_wait3A_85 = arith.constant 0 : i32
        %dma_wait3A_86 = tpu.memref_slice %arg13[%dma_wait3A, %dma_wait3A_85] : memref<10016x128xf32, #tpu.memory_space<vmem_shared>> -> memref<16x128xf32, #tpu.memory_space<vmem_shared>>
        %dma_wait3A_87 = arith.constant 9984 : i32
        %dma_wait3A_88 = arith.constant 0 : i32
        %dma_wait3A_89 = tpu.memref_slice %arg2[%dma_wait3A_87, %dma_wait3A_88] : memref<10000x128xf32, #tpu.memory_space<hbm>> -> memref<16x128xf32, #tpu.memory_space<hbm>>
        tpu.wait_dma2 semaphore(%run_scoped3A_79 : memref<!tpu.dma_semaphore, #tpu.memory_space<semaphore_mem>>) src(%dma_wait3A_89 : memref<16x128xf32, #tpu.memory_space<hbm>>) dst(%dma_wait3A_86 : memref<16x128xf32, #tpu.memory_space<vmem_shared>>)
        tpu.yield
      }) : () -> ()
    } else {
    }
    %barrier3A = arith.constant 0 : index
    tpu.barrier barrier_id(%barrier3A)
    %scan3A = arith.constant 0 : i32
    %scan3A_7 = arith.constant 0 : i32
    %scan3A_8 = arith.constant 79 : i32
    %scan3A_9 = arith.addi %scan3A_7, %scan3A_8 : i32
    %scan3A_10 = arith.constant 1 : i32
    scf.for %scan3A_79 = %scan3A_7 to %scan3A_9 step %scan3A_10  : i32 {
      %mul3A_80 = arith.constant 79 : i32
      %mul3A_81 = arith.muli %add3A, %mul3A_80 : i32
      %add3A_82 = arith.addi %mul3A_81, %scan3A_79 : i32
      %mul3A_83 = arith.constant 128 : i32
      %mul3A_84 = arith.muli %add3A_82, %mul3A_83 : i32
      "tpu.region"() ({
        %run_scoped3A_89 = tpu.sem_alloc : memref<!tpu.dma_semaphore, #tpu.memory_space<semaphore_mem>>
        %dma_start3A_90 = tpu.memref_slice %arg3[%mul3A_84] : memref<323584xi32, #tpu.memory_space<hbm>> -> memref<128xi32, #tpu.memory_space<hbm>>
        %dma_start3A_91 = tpu.memref_slice %arg3[%mul3A_84] : memref<323584xi32, #tpu.memory_space<hbm>> -> memref<128xi32, #tpu.memory_space<hbm>>
        tpu.enqueue_dma source(%dma_start3A_91 : memref<128xi32, #tpu.memory_space<hbm>>) target(%arg10 : memref<128xi32, #tpu.memory_space<vmem>>) target_semaphore(%run_scoped3A_89 : memref<!tpu.dma_semaphore, #tpu.memory_space<semaphore_mem>>)
        %dma_wait3A_92 = tpu.memref_slice %arg3[%mul3A_84] : memref<323584xi32, #tpu.memory_space<hbm>> -> memref<128xi32, #tpu.memory_space<hbm>>
        %dma_wait3A_93 = tpu.memref_slice %arg3[%mul3A_84] : memref<323584xi32, #tpu.memory_space<hbm>> -> memref<128xi32, #tpu.memory_space<hbm>>
        tpu.wait_dma2 semaphore(%run_scoped3A_89 : memref<!tpu.dma_semaphore, #tpu.memory_space<semaphore_mem>>) src(%dma_wait3A_93 : memref<128xi32, #tpu.memory_space<hbm>>) dst(%arg10 : memref<128xi32, #tpu.memory_space<vmem>>)
        tpu.yield
      }) : () -> ()
      "tpu.region"() ({
        %run_scoped3A_89 = tpu.sem_alloc : memref<!tpu.dma_semaphore, #tpu.memory_space<semaphore_mem>>
        %dma_start3A_90 = tpu.memref_slice %arg6[%mul3A_84] : memref<323584xi32, #tpu.memory_space<hbm>> -> memref<128xi32, #tpu.memory_space<hbm>>
        %dma_start3A_91 = tpu.memref_slice %arg6[%mul3A_84] : memref<323584xi32, #tpu.memory_space<hbm>> -> memref<128xi32, #tpu.memory_space<hbm>>
        tpu.enqueue_dma source(%dma_start3A_91 : memref<128xi32, #tpu.memory_space<hbm>>) target(%arg11 : memref<128xi32, #tpu.memory_space<vmem>>) target_semaphore(%run_scoped3A_89 : memref<!tpu.dma_semaphore, #tpu.memory_space<semaphore_mem>>)
        %dma_wait3A_92 = tpu.memref_slice %arg6[%mul3A_84] : memref<323584xi32, #tpu.memory_space<hbm>> -> memref<128xi32, #tpu.memory_space<hbm>>
        %dma_wait3A_93 = tpu.memref_slice %arg6[%mul3A_84] : memref<323584xi32, #tpu.memory_space<hbm>> -> memref<128xi32, #tpu.memory_space<hbm>>
        tpu.wait_dma2 semaphore(%run_scoped3A_89 : memref<!tpu.dma_semaphore, #tpu.memory_space<semaphore_mem>>) src(%dma_wait3A_93 : memref<128xi32, #tpu.memory_space<hbm>>) dst(%arg11 : memref<128xi32, #tpu.memory_space<vmem>>)
        tpu.yield
      }) : () -> ()
      %dma_start3A = arith.constant 0 : i32
      %dma_start3A_85 = arith.constant 0 : i32
      %dma_start3A_86 = tpu.memref_slice %arg2[%dma_start3A, %dma_start3A_85] : memref<10000x128xf32, #tpu.memory_space<hbm>> -> memref<10000x128xf32, #tpu.memory_space<hbm>>
      tpu.enqueue_indirect_dma source(%dma_start3A_86 : memref<10000x128xf32, #tpu.memory_space<hbm>>) target(%arg12 : memref<128x128xf32, #tpu.memory_space<vmem>>) offsets(%arg10 : memref<128xi32, #tpu.memory_space<vmem>>) semaphore(%arg14 : memref<!tpu.dma_semaphore, #tpu.memory_space<semaphore_mem>>)
      %dma_wait3A = arith.constant 0 : i32
      %dma_wait3A_87 = arith.constant 0 : i32
      %dma_wait3A_88 = tpu.memref_slice %arg2[%dma_wait3A, %dma_wait3A_87] : memref<10000x128xf32, #tpu.memory_space<hbm>> -> memref<10000x128xf32, #tpu.memory_space<hbm>>
      tpu.wait_indirect_dma semaphore(%arg14 : memref<!tpu.dma_semaphore, #tpu.memory_space<semaphore_mem>>) src(%dma_wait3A_88 : memref<10000x128xf32, #tpu.memory_space<hbm>>) dst(%arg12 : memref<128x128xf32, #tpu.memory_space<vmem>>)
      "tpu.region"() ({
        %run_scoped3A_89 = tpu.sem_alloc : memref<!tpu.dma_semaphore, #tpu.memory_space<semaphore_mem>>
        %dma_start3A_90 = arith.constant 0 : i32
        %dma_start3A_91 = arith.constant 0 : i32
        %dma_start3A_92 = tpu.memref_slice %arg13[%dma_start3A_90, %dma_start3A_91] : memref<10016x128xf32, #tpu.memory_space<vmem_shared>> -> memref<10016x128xf32, #tpu.memory_space<vmem_shared>>
        tpu.enqueue_indirect_dma source(%arg12 : memref<128x128xf32, #tpu.memory_space<vmem>>) target(%dma_start3A_92 : memref<10016x128xf32, #tpu.memory_space<vmem_shared>>) offsets(%arg11 : memref<128xi32, #tpu.memory_space<vmem>>) semaphore(%run_scoped3A_89 : memref<!tpu.dma_semaphore, #tpu.memory_space<semaphore_mem>>) {add = true}
        %dma_wait3A_93 = arith.constant 0 : i32
        %dma_wait3A_94 = arith.constant 0 : i32
        %dma_wait3A_95 = tpu.memref_slice %arg13[%dma_wait3A_93, %dma_wait3A_94] : memref<10016x128xf32, #tpu.memory_space<vmem_shared>> -> memref<10016x128xf32, #tpu.memory_space<vmem_shared>>
        tpu.wait_indirect_dma semaphore(%run_scoped3A_89 : memref<!tpu.dma_semaphore, #tpu.memory_space<semaphore_mem>>) src(%arg12 : memref<128x128xf32, #tpu.memory_space<vmem>>) dst(%dma_wait3A_95 : memref<10016x128xf32, #tpu.memory_space<vmem_shared>>)
        tpu.yield
      }) : () -> ()
    }
    %scan3A_11 = arith.constant 79 : i32
    %barrier3A_12 = arith.constant 0 : index
    tpu.barrier barrier_id(%barrier3A_12)
    %mul3A_13 = arith.constant 624 : i32
    %mul3A_14 = arith.muli %arg1, %mul3A_13 : i32
    %mul3A_15 = arith.constant 624 : i32
    %mul3A_16 = arith.muli %arg1, %mul3A_15 : i32
    %run_scoped3A = arith.constant 0 : i32
    "tpu.region"() ({
      %run_scoped3A_79 = tpu.sem_alloc : memref<!tpu.dma_semaphore, #tpu.memory_space<semaphore_mem>>
      %dma_start3A = arith.constant 0 : i32
      %dma_start3A_80 = tpu.memref_slice %arg9[%run_scoped3A, %arg0, %mul3A_16, %dma_start3A] : memref<3x2x10000x128xf32, #tpu.memory_space<hbm>> -> memref<1x1x624x128xf32, #tpu.memory_space<hbm>>
      %dma_start3A_81 = tpu.memref_squeeze %dma_start3A_80 : memref<1x1x624x128xf32, #tpu.memory_space<hbm>> -> memref<624x128xf32, #tpu.memory_space<hbm>>
      %dma_start3A_82 = arith.constant 0 : i32
      %dma_start3A_83 = tpu.memref_slice %arg13[%mul3A_14, %dma_start3A_82] : memref<10016x128xf32, #tpu.memory_space<vmem_shared>> -> memref<624x128xf32, #tpu.memory_space<vmem_shared>>
      tpu.enqueue_dma source(%dma_start3A_83 : memref<624x128xf32, #tpu.memory_space<vmem_shared>>) target(%dma_start3A_81 : memref<624x128xf32, #tpu.memory_space<hbm>>) target_semaphore(%run_scoped3A_79 : memref<!tpu.dma_semaphore, #tpu.memory_space<semaphore_mem>>)
      %dma_wait3A = arith.constant 0 : i32
      %dma_wait3A_84 = tpu.memref_slice %arg9[%run_scoped3A, %arg0, %mul3A_16, %dma_wait3A] : memref<3x2x10000x128xf32, #tpu.memory_space<hbm>> -> memref<1x1x624x128xf32, #tpu.memory_space<hbm>>
      %dma_wait3A_85 = tpu.memref_squeeze %dma_wait3A_84 : memref<1x1x624x128xf32, #tpu.memory_space<hbm>> -> memref<624x128xf32, #tpu.memory_space<hbm>>
      %dma_wait3A_86 = arith.constant 0 : i32
      %dma_wait3A_87 = tpu.memref_slice %arg13[%mul3A_14, %dma_wait3A_86] : memref<10016x128xf32, #tpu.memory_space<vmem_shared>> -> memref<624x128xf32, #tpu.memory_space<vmem_shared>>
      tpu.wait_dma2 semaphore(%run_scoped3A_79 : memref<!tpu.dma_semaphore, #tpu.memory_space<semaphore_mem>>) src(%dma_wait3A_87 : memref<624x128xf32, #tpu.memory_space<vmem_shared>>) dst(%dma_wait3A_85 : memref<624x128xf32, #tpu.memory_space<hbm>>)
      tpu.yield
    }) : () -> ()
    %eq3A_17 = arith.constant 15 : i32
    %eq3A_18 = arith.cmpi eq, %arg1, %eq3A_17 : i32
    %convert_element_type3A_19 = arith.extui %eq3A_18 : i1 to i32
    %cond3A_20 = arith.constant 0 : i32
    %cond3A_21 = arith.cmpi ne, %convert_element_type3A_19, %cond3A_20 : i32
    scf.if %cond3A_21 {
      %run_scoped3A_79 = arith.constant 0 : i32
      "tpu.region"() ({
        %run_scoped3A_80 = tpu.sem_alloc : memref<!tpu.dma_semaphore, #tpu.memory_space<semaphore_mem>>
        %dma_start3A = arith.constant 9984 : i32
        %dma_start3A_81 = arith.constant 0 : i32
        %dma_start3A_82 = tpu.memref_slice %arg9[%run_scoped3A_79, %arg0, %dma_start3A, %dma_start3A_81] : memref<3x2x10000x128xf32, #tpu.memory_space<hbm>> -> memref<1x1x16x128xf32, #tpu.memory_space<hbm>>
        %dma_start3A_83 = tpu.memref_squeeze %dma_start3A_82 : memref<1x1x16x128xf32, #tpu.memory_space<hbm>> -> memref<16x128xf32, #tpu.memory_space<hbm>>
        %dma_start3A_84 = arith.constant 9984 : i32
        %dma_start3A_85 = arith.constant 0 : i32
        %dma_start3A_86 = tpu.memref_slice %arg13[%dma_start3A_84, %dma_start3A_85] : memref<10016x128xf32, #tpu.memory_space<vmem_shared>> -> memref<16x128xf32, #tpu.memory_space<vmem_shared>>
        tpu.enqueue_dma source(%dma_start3A_86 : memref<16x128xf32, #tpu.memory_space<vmem_shared>>) target(%dma_start3A_83 : memref<16x128xf32, #tpu.memory_space<hbm>>) target_semaphore(%run_scoped3A_80 : memref<!tpu.dma_semaphore, #tpu.memory_space<semaphore_mem>>)
        %dma_wait3A = arith.constant 9984 : i32
        %dma_wait3A_87 = arith.constant 0 : i32
        %dma_wait3A_88 = tpu.memref_slice %arg9[%run_scoped3A_79, %arg0, %dma_wait3A, %dma_wait3A_87] : memref<3x2x10000x128xf32, #tpu.memory_space<hbm>> -> memref<1x1x16x128xf32, #tpu.memory_space<hbm>>
        %dma_wait3A_89 = tpu.memref_squeeze %dma_wait3A_88 : memref<1x1x16x128xf32, #tpu.memory_space<hbm>> -> memref<16x128xf32, #tpu.memory_space<hbm>>
        %dma_wait3A_90 = arith.constant 9984 : i32
        %dma_wait3A_91 = arith.constant 0 : i32
        %dma_wait3A_92 = tpu.memref_slice %arg13[%dma_wait3A_90, %dma_wait3A_91] : memref<10016x128xf32, #tpu.memory_space<vmem_shared>> -> memref<16x128xf32, #tpu.memory_space<vmem_shared>>
        tpu.wait_dma2 semaphore(%run_scoped3A_80 : memref<!tpu.dma_semaphore, #tpu.memory_space<semaphore_mem>>) src(%dma_wait3A_92 : memref<16x128xf32, #tpu.memory_space<vmem_shared>>) dst(%dma_wait3A_89 : memref<16x128xf32, #tpu.memory_space<hbm>>)
        tpu.yield
      }) : () -> ()
    } else {
    }
    %barrier3A_22 = arith.constant 0 : index
    tpu.barrier barrier_id(%barrier3A_22)
    %mul3A_23 = arith.constant 624 : i32
    %mul3A_24 = arith.muli %arg1, %mul3A_23 : i32
    %mul3A_25 = arith.constant 624 : i32
    %mul3A_26 = arith.muli %arg1, %mul3A_25 : i32
    "tpu.region"() ({
      %run_scoped3A_79 = tpu.sem_alloc : memref<!tpu.dma_semaphore, #tpu.memory_space<semaphore_mem>>
      %dma_start3A = arith.constant 0 : i32
      %dma_start3A_80 = tpu.memref_slice %arg13[%mul3A_26, %dma_start3A] : memref<10016x128xf32, #tpu.memory_space<vmem_shared>> -> memref<624x128xf32, #tpu.memory_space<vmem_shared>>
      %dma_start3A_81 = arith.constant 0 : i32
      %dma_start3A_82 = tpu.memref_slice %arg2[%mul3A_24, %dma_start3A_81] : memref<10000x128xf32, #tpu.memory_space<hbm>> -> memref<624x128xf32, #tpu.memory_space<hbm>>
      tpu.enqueue_dma source(%dma_start3A_82 : memref<624x128xf32, #tpu.memory_space<hbm>>) target(%dma_start3A_80 : memref<624x128xf32, #tpu.memory_space<vmem_shared>>) target_semaphore(%run_scoped3A_79 : memref<!tpu.dma_semaphore, #tpu.memory_space<semaphore_mem>>)
      %dma_wait3A = arith.constant 0 : i32
      %dma_wait3A_83 = tpu.memref_slice %arg13[%mul3A_26, %dma_wait3A] : memref<10016x128xf32, #tpu.memory_space<vmem_shared>> -> memref<624x128xf32, #tpu.memory_space<vmem_shared>>
      %dma_wait3A_84 = arith.constant 0 : i32
      %dma_wait3A_85 = tpu.memref_slice %arg2[%mul3A_24, %dma_wait3A_84] : memref<10000x128xf32, #tpu.memory_space<hbm>> -> memref<624x128xf32, #tpu.memory_space<hbm>>
      tpu.wait_dma2 semaphore(%run_scoped3A_79 : memref<!tpu.dma_semaphore, #tpu.memory_space<semaphore_mem>>) src(%dma_wait3A_85 : memref<624x128xf32, #tpu.memory_space<hbm>>) dst(%dma_wait3A_83 : memref<624x128xf32, #tpu.memory_space<vmem_shared>>)
      tpu.yield
    }) : () -> ()
    %eq3A_27 = arith.constant 15 : i32
    %eq3A_28 = arith.cmpi eq, %arg1, %eq3A_27 : i32
    %convert_element_type3A_29 = arith.extui %eq3A_28 : i1 to i32
    %cond3A_30 = arith.constant 0 : i32
    %cond3A_31 = arith.cmpi ne, %convert_element_type3A_29, %cond3A_30 : i32
    scf.if %cond3A_31 {
      "tpu.region"() ({
        %run_scoped3A_79 = tpu.sem_alloc : memref<!tpu.dma_semaphore, #tpu.memory_space<semaphore_mem>>
        %dma_start3A = arith.constant 9984 : i32
        %dma_start3A_80 = arith.constant 0 : i32
        %dma_start3A_81 = tpu.memref_slice %arg13[%dma_start3A, %dma_start3A_80] : memref<10016x128xf32, #tpu.memory_space<vmem_shared>> -> memref<16x128xf32, #tpu.memory_space<vmem_shared>>
        %dma_start3A_82 = arith.constant 9984 : i32
        %dma_start3A_83 = arith.constant 0 : i32
        %dma_start3A_84 = tpu.memref_slice %arg2[%dma_start3A_82, %dma_start3A_83] : memref<10000x128xf32, #tpu.memory_space<hbm>> -> memref<16x128xf32, #tpu.memory_space<hbm>>
        tpu.enqueue_dma source(%dma_start3A_84 : memref<16x128xf32, #tpu.memory_space<hbm>>) target(%dma_start3A_81 : memref<16x128xf32, #tpu.memory_space<vmem_shared>>) target_semaphore(%run_scoped3A_79 : memref<!tpu.dma_semaphore, #tpu.memory_space<semaphore_mem>>)
        %dma_wait3A = arith.constant 9984 : i32
        %dma_wait3A_85 = arith.constant 0 : i32
        %dma_wait3A_86 = tpu.memref_slice %arg13[%dma_wait3A, %dma_wait3A_85] : memref<10016x128xf32, #tpu.memory_space<vmem_shared>> -> memref<16x128xf32, #tpu.memory_space<vmem_shared>>
        %dma_wait3A_87 = arith.constant 9984 : i32
        %dma_wait3A_88 = arith.constant 0 : i32
        %dma_wait3A_89 = tpu.memref_slice %arg2[%dma_wait3A_87, %dma_wait3A_88] : memref<10000x128xf32, #tpu.memory_space<hbm>> -> memref<16x128xf32, #tpu.memory_space<hbm>>
        tpu.wait_dma2 semaphore(%run_scoped3A_79 : memref<!tpu.dma_semaphore, #tpu.memory_space<semaphore_mem>>) src(%dma_wait3A_89 : memref<16x128xf32, #tpu.memory_space<hbm>>) dst(%dma_wait3A_86 : memref<16x128xf32, #tpu.memory_space<vmem_shared>>)
        tpu.yield
      }) : () -> ()
    } else {
    }
    %barrier3A_32 = arith.constant 0 : index
    tpu.barrier barrier_id(%barrier3A_32)
    %scan3A_33 = arith.constant 0 : i32
    %scan3A_34 = arith.constant 0 : i32
    %scan3A_35 = arith.constant 79 : i32
    %scan3A_36 = arith.addi %scan3A_34, %scan3A_35 : i32
    %scan3A_37 = arith.constant 1 : i32
    scf.for %scan3A_79 = %scan3A_34 to %scan3A_36 step %scan3A_37  : i32 {
      %mul3A_80 = arith.constant 79 : i32
      %mul3A_81 = arith.muli %add3A, %mul3A_80 : i32
      %add3A_82 = arith.addi %mul3A_81, %scan3A_79 : i32
      %mul3A_83 = arith.constant 128 : i32
      %mul3A_84 = arith.muli %add3A_82, %mul3A_83 : i32
      "tpu.region"() ({
        %run_scoped3A_89 = tpu.sem_alloc : memref<!tpu.dma_semaphore, #tpu.memory_space<semaphore_mem>>
        %dma_start3A_90 = tpu.memref_slice %arg4[%mul3A_84] : memref<323584xi32, #tpu.memory_space<hbm>> -> memref<128xi32, #tpu.memory_space<hbm>>
        %dma_start3A_91 = tpu.memref_slice %arg4[%mul3A_84] : memref<323584xi32, #tpu.memory_space<hbm>> -> memref<128xi32, #tpu.memory_space<hbm>>
        tpu.enqueue_dma source(%dma_start3A_91 : memref<128xi32, #tpu.memory_space<hbm>>) target(%arg10 : memref<128xi32, #tpu.memory_space<vmem>>) target_semaphore(%run_scoped3A_89 : memref<!tpu.dma_semaphore, #tpu.memory_space<semaphore_mem>>)
        %dma_wait3A_92 = tpu.memref_slice %arg4[%mul3A_84] : memref<323584xi32, #tpu.memory_space<hbm>> -> memref<128xi32, #tpu.memory_space<hbm>>
        %dma_wait3A_93 = tpu.memref_slice %arg4[%mul3A_84] : memref<323584xi32, #tpu.memory_space<hbm>> -> memref<128xi32, #tpu.memory_space<hbm>>
        tpu.wait_dma2 semaphore(%run_scoped3A_89 : memref<!tpu.dma_semaphore, #tpu.memory_space<semaphore_mem>>) src(%dma_wait3A_93 : memref<128xi32, #tpu.memory_space<hbm>>) dst(%arg10 : memref<128xi32, #tpu.memory_space<vmem>>)
        tpu.yield
      }) : () -> ()
      "tpu.region"() ({
        %run_scoped3A_89 = tpu.sem_alloc : memref<!tpu.dma_semaphore, #tpu.memory_space<semaphore_mem>>
        %dma_start3A_90 = tpu.memref_slice %arg7[%mul3A_84] : memref<323584xi32, #tpu.memory_space<hbm>> -> memref<128xi32, #tpu.memory_space<hbm>>
        %dma_start3A_91 = tpu.memref_slice %arg7[%mul3A_84] : memref<323584xi32, #tpu.memory_space<hbm>> -> memref<128xi32, #tpu.memory_space<hbm>>
        tpu.enqueue_dma source(%dma_start3A_91 : memref<128xi32, #tpu.memory_space<hbm>>) target(%arg11 : memref<128xi32, #tpu.memory_space<vmem>>) target_semaphore(%run_scoped3A_89 : memref<!tpu.dma_semaphore, #tpu.memory_space<semaphore_mem>>)
        %dma_wait3A_92 = tpu.memref_slice %arg7[%mul3A_84] : memref<323584xi32, #tpu.memory_space<hbm>> -> memref<128xi32, #tpu.memory_space<hbm>>
        %dma_wait3A_93 = tpu.memref_slice %arg7[%mul3A_84] : memref<323584xi32, #tpu.memory_space<hbm>> -> memref<128xi32, #tpu.memory_space<hbm>>
        tpu.wait_dma2 semaphore(%run_scoped3A_89 : memref<!tpu.dma_semaphore, #tpu.memory_space<semaphore_mem>>) src(%dma_wait3A_93 : memref<128xi32, #tpu.memory_space<hbm>>) dst(%arg11 : memref<128xi32, #tpu.memory_space<vmem>>)
        tpu.yield
      }) : () -> ()
      %dma_start3A = arith.constant 0 : i32
      %dma_start3A_85 = arith.constant 0 : i32
      %dma_start3A_86 = tpu.memref_slice %arg2[%dma_start3A, %dma_start3A_85] : memref<10000x128xf32, #tpu.memory_space<hbm>> -> memref<10000x128xf32, #tpu.memory_space<hbm>>
      tpu.enqueue_indirect_dma source(%dma_start3A_86 : memref<10000x128xf32, #tpu.memory_space<hbm>>) target(%arg12 : memref<128x128xf32, #tpu.memory_space<vmem>>) offsets(%arg10 : memref<128xi32, #tpu.memory_space<vmem>>) semaphore(%arg14 : memref<!tpu.dma_semaphore, #tpu.memory_space<semaphore_mem>>)
      %dma_wait3A = arith.constant 0 : i32
      %dma_wait3A_87 = arith.constant 0 : i32
      %dma_wait3A_88 = tpu.memref_slice %arg2[%dma_wait3A, %dma_wait3A_87] : memref<10000x128xf32, #tpu.memory_space<hbm>> -> memref<10000x128xf32, #tpu.memory_space<hbm>>
      tpu.wait_indirect_dma semaphore(%arg14 : memref<!tpu.dma_semaphore, #tpu.memory_space<semaphore_mem>>) src(%dma_wait3A_88 : memref<10000x128xf32, #tpu.memory_space<hbm>>) dst(%arg12 : memref<128x128xf32, #tpu.memory_space<vmem>>)
      "tpu.region"() ({
        %run_scoped3A_89 = tpu.sem_alloc : memref<!tpu.dma_semaphore, #tpu.memory_space<semaphore_mem>>
        %dma_start3A_90 = arith.constant 0 : i32
        %dma_start3A_91 = arith.constant 0 : i32
        %dma_start3A_92 = tpu.memref_slice %arg13[%dma_start3A_90, %dma_start3A_91] : memref<10016x128xf32, #tpu.memory_space<vmem_shared>> -> memref<10016x128xf32, #tpu.memory_space<vmem_shared>>
        tpu.enqueue_indirect_dma source(%arg12 : memref<128x128xf32, #tpu.memory_space<vmem>>) target(%dma_start3A_92 : memref<10016x128xf32, #tpu.memory_space<vmem_shared>>) offsets(%arg11 : memref<128xi32, #tpu.memory_space<vmem>>) semaphore(%run_scoped3A_89 : memref<!tpu.dma_semaphore, #tpu.memory_space<semaphore_mem>>) {add = true}
        %dma_wait3A_93 = arith.constant 0 : i32
        %dma_wait3A_94 = arith.constant 0 : i32
        %dma_wait3A_95 = tpu.memref_slice %arg13[%dma_wait3A_93, %dma_wait3A_94] : memref<10016x128xf32, #tpu.memory_space<vmem_shared>> -> memref<10016x128xf32, #tpu.memory_space<vmem_shared>>
        tpu.wait_indirect_dma semaphore(%run_scoped3A_89 : memref<!tpu.dma_semaphore, #tpu.memory_space<semaphore_mem>>) src(%arg12 : memref<128x128xf32, #tpu.memory_space<vmem>>) dst(%dma_wait3A_95 : memref<10016x128xf32, #tpu.memory_space<vmem_shared>>)
        tpu.yield
      }) : () -> ()
    }
    %scan3A_38 = arith.constant 79 : i32
    %barrier3A_39 = arith.constant 0 : index
    tpu.barrier barrier_id(%barrier3A_39)
    %mul3A_40 = arith.constant 624 : i32
    %mul3A_41 = arith.muli %arg1, %mul3A_40 : i32
    %mul3A_42 = arith.constant 624 : i32
    %mul3A_43 = arith.muli %arg1, %mul3A_42 : i32
    %run_scoped3A_44 = arith.constant 1 : i32
    "tpu.region"() ({
      %run_scoped3A_79 = tpu.sem_alloc : memref<!tpu.dma_semaphore, #tpu.memory_space<semaphore_mem>>
      %dma_start3A = arith.constant 0 : i32
      %dma_start3A_80 = tpu.memref_slice %arg9[%run_scoped3A_44, %arg0, %mul3A_43, %dma_start3A] : memref<3x2x10000x128xf32, #tpu.memory_space<hbm>> -> memref<1x1x624x128xf32, #tpu.memory_space<hbm>>
      %dma_start3A_81 = tpu.memref_squeeze %dma_start3A_80 : memref<1x1x624x128xf32, #tpu.memory_space<hbm>> -> memref<624x128xf32, #tpu.memory_space<hbm>>
      %dma_start3A_82 = arith.constant 0 : i32
      %dma_start3A_83 = tpu.memref_slice %arg13[%mul3A_41, %dma_start3A_82] : memref<10016x128xf32, #tpu.memory_space<vmem_shared>> -> memref<624x128xf32, #tpu.memory_space<vmem_shared>>
      tpu.enqueue_dma source(%dma_start3A_83 : memref<624x128xf32, #tpu.memory_space<vmem_shared>>) target(%dma_start3A_81 : memref<624x128xf32, #tpu.memory_space<hbm>>) target_semaphore(%run_scoped3A_79 : memref<!tpu.dma_semaphore, #tpu.memory_space<semaphore_mem>>)
      %dma_wait3A = arith.constant 0 : i32
      %dma_wait3A_84 = tpu.memref_slice %arg9[%run_scoped3A_44, %arg0, %mul3A_43, %dma_wait3A] : memref<3x2x10000x128xf32, #tpu.memory_space<hbm>> -> memref<1x1x624x128xf32, #tpu.memory_space<hbm>>
      %dma_wait3A_85 = tpu.memref_squeeze %dma_wait3A_84 : memref<1x1x624x128xf32, #tpu.memory_space<hbm>> -> memref<624x128xf32, #tpu.memory_space<hbm>>
      %dma_wait3A_86 = arith.constant 0 : i32
      %dma_wait3A_87 = tpu.memref_slice %arg13[%mul3A_41, %dma_wait3A_86] : memref<10016x128xf32, #tpu.memory_space<vmem_shared>> -> memref<624x128xf32, #tpu.memory_space<vmem_shared>>
      tpu.wait_dma2 semaphore(%run_scoped3A_79 : memref<!tpu.dma_semaphore, #tpu.memory_space<semaphore_mem>>) src(%dma_wait3A_87 : memref<624x128xf32, #tpu.memory_space<vmem_shared>>) dst(%dma_wait3A_85 : memref<624x128xf32, #tpu.memory_space<hbm>>)
      tpu.yield
    }) : () -> ()
    %eq3A_45 = arith.constant 15 : i32
    %eq3A_46 = arith.cmpi eq, %arg1, %eq3A_45 : i32
    %convert_element_type3A_47 = arith.extui %eq3A_46 : i1 to i32
    %cond3A_48 = arith.constant 0 : i32
    %cond3A_49 = arith.cmpi ne, %convert_element_type3A_47, %cond3A_48 : i32
    scf.if %cond3A_49 {
      %run_scoped3A_79 = arith.constant 1 : i32
      "tpu.region"() ({
        %run_scoped3A_80 = tpu.sem_alloc : memref<!tpu.dma_semaphore, #tpu.memory_space<semaphore_mem>>
        %dma_start3A = arith.constant 9984 : i32
        %dma_start3A_81 = arith.constant 0 : i32
        %dma_start3A_82 = tpu.memref_slice %arg9[%run_scoped3A_79, %arg0, %dma_start3A, %dma_start3A_81] : memref<3x2x10000x128xf32, #tpu.memory_space<hbm>> -> memref<1x1x16x128xf32, #tpu.memory_space<hbm>>
        %dma_start3A_83 = tpu.memref_squeeze %dma_start3A_82 : memref<1x1x16x128xf32, #tpu.memory_space<hbm>> -> memref<16x128xf32, #tpu.memory_space<hbm>>
        %dma_start3A_84 = arith.constant 9984 : i32
        %dma_start3A_85 = arith.constant 0 : i32
        %dma_start3A_86 = tpu.memref_slice %arg13[%dma_start3A_84, %dma_start3A_85] : memref<10016x128xf32, #tpu.memory_space<vmem_shared>> -> memref<16x128xf32, #tpu.memory_space<vmem_shared>>
        tpu.enqueue_dma source(%dma_start3A_86 : memref<16x128xf32, #tpu.memory_space<vmem_shared>>) target(%dma_start3A_83 : memref<16x128xf32, #tpu.memory_space<hbm>>) target_semaphore(%run_scoped3A_80 : memref<!tpu.dma_semaphore, #tpu.memory_space<semaphore_mem>>)
        %dma_wait3A = arith.constant 9984 : i32
        %dma_wait3A_87 = arith.constant 0 : i32
        %dma_wait3A_88 = tpu.memref_slice %arg9[%run_scoped3A_79, %arg0, %dma_wait3A, %dma_wait3A_87] : memref<3x2x10000x128xf32, #tpu.memory_space<hbm>> -> memref<1x1x16x128xf32, #tpu.memory_space<hbm>>
        %dma_wait3A_89 = tpu.memref_squeeze %dma_wait3A_88 : memref<1x1x16x128xf32, #tpu.memory_space<hbm>> -> memref<16x128xf32, #tpu.memory_space<hbm>>
        %dma_wait3A_90 = arith.constant 9984 : i32
        %dma_wait3A_91 = arith.constant 0 : i32
        %dma_wait3A_92 = tpu.memref_slice %arg13[%dma_wait3A_90, %dma_wait3A_91] : memref<10016x128xf32, #tpu.memory_space<vmem_shared>> -> memref<16x128xf32, #tpu.memory_space<vmem_shared>>
        tpu.wait_dma2 semaphore(%run_scoped3A_80 : memref<!tpu.dma_semaphore, #tpu.memory_space<semaphore_mem>>) src(%dma_wait3A_92 : memref<16x128xf32, #tpu.memory_space<vmem_shared>>) dst(%dma_wait3A_89 : memref<16x128xf32, #tpu.memory_space<hbm>>)
        tpu.yield
      }) : () -> ()
    } else {
    }
    %barrier3A_50 = arith.constant 0 : index
    tpu.barrier barrier_id(%barrier3A_50)
    %mul3A_51 = arith.constant 624 : i32
    %mul3A_52 = arith.muli %arg1, %mul3A_51 : i32
    %mul3A_53 = arith.constant 624 : i32
    %mul3A_54 = arith.muli %arg1, %mul3A_53 : i32
    "tpu.region"() ({
      %run_scoped3A_79 = tpu.sem_alloc : memref<!tpu.dma_semaphore, #tpu.memory_space<semaphore_mem>>
      %dma_start3A = arith.constant 0 : i32
      %dma_start3A_80 = tpu.memref_slice %arg13[%mul3A_54, %dma_start3A] : memref<10016x128xf32, #tpu.memory_space<vmem_shared>> -> memref<624x128xf32, #tpu.memory_space<vmem_shared>>
      %dma_start3A_81 = arith.constant 0 : i32
      %dma_start3A_82 = tpu.memref_slice %arg2[%mul3A_52, %dma_start3A_81] : memref<10000x128xf32, #tpu.memory_space<hbm>> -> memref<624x128xf32, #tpu.memory_space<hbm>>
      tpu.enqueue_dma source(%dma_start3A_82 : memref<624x128xf32, #tpu.memory_space<hbm>>) target(%dma_start3A_80 : memref<624x128xf32, #tpu.memory_space<vmem_shared>>) target_semaphore(%run_scoped3A_79 : memref<!tpu.dma_semaphore, #tpu.memory_space<semaphore_mem>>)
      %dma_wait3A = arith.constant 0 : i32
      %dma_wait3A_83 = tpu.memref_slice %arg13[%mul3A_54, %dma_wait3A] : memref<10016x128xf32, #tpu.memory_space<vmem_shared>> -> memref<624x128xf32, #tpu.memory_space<vmem_shared>>
      %dma_wait3A_84 = arith.constant 0 : i32
      %dma_wait3A_85 = tpu.memref_slice %arg2[%mul3A_52, %dma_wait3A_84] : memref<10000x128xf32, #tpu.memory_space<hbm>> -> memref<624x128xf32, #tpu.memory_space<hbm>>
      tpu.wait_dma2 semaphore(%run_scoped3A_79 : memref<!tpu.dma_semaphore, #tpu.memory_space<semaphore_mem>>) src(%dma_wait3A_85 : memref<624x128xf32, #tpu.memory_space<hbm>>) dst(%dma_wait3A_83 : memref<624x128xf32, #tpu.memory_space<vmem_shared>>)
      tpu.yield
    }) : () -> ()
    %eq3A_55 = arith.constant 15 : i32
    %eq3A_56 = arith.cmpi eq, %arg1, %eq3A_55 : i32
    %convert_element_type3A_57 = arith.extui %eq3A_56 : i1 to i32
    %cond3A_58 = arith.constant 0 : i32
    %cond3A_59 = arith.cmpi ne, %convert_element_type3A_57, %cond3A_58 : i32
    scf.if %cond3A_59 {
      "tpu.region"() ({
        %run_scoped3A_79 = tpu.sem_alloc : memref<!tpu.dma_semaphore, #tpu.memory_space<semaphore_mem>>
        %dma_start3A = arith.constant 9984 : i32
        %dma_start3A_80 = arith.constant 0 : i32
        %dma_start3A_81 = tpu.memref_slice %arg13[%dma_start3A, %dma_start3A_80] : memref<10016x128xf32, #tpu.memory_space<vmem_shared>> -> memref<16x128xf32, #tpu.memory_space<vmem_shared>>
        %dma_start3A_82 = arith.constant 9984 : i32
        %dma_start3A_83 = arith.constant 0 : i32
        %dma_start3A_84 = tpu.memref_slice %arg2[%dma_start3A_82, %dma_start3A_83] : memref<10000x128xf32, #tpu.memory_space<hbm>> -> memref<16x128xf32, #tpu.memory_space<hbm>>
        tpu.enqueue_dma source(%dma_start3A_84 : memref<16x128xf32, #tpu.memory_space<hbm>>) target(%dma_start3A_81 : memref<16x128xf32, #tpu.memory_space<vmem_shared>>) target_semaphore(%run_scoped3A_79 : memref<!tpu.dma_semaphore, #tpu.memory_space<semaphore_mem>>)
        %dma_wait3A = arith.constant 9984 : i32
        %dma_wait3A_85 = arith.constant 0 : i32
        %dma_wait3A_86 = tpu.memref_slice %arg13[%dma_wait3A, %dma_wait3A_85] : memref<10016x128xf32, #tpu.memory_space<vmem_shared>> -> memref<16x128xf32, #tpu.memory_space<vmem_shared>>
        %dma_wait3A_87 = arith.constant 9984 : i32
        %dma_wait3A_88 = arith.constant 0 : i32
        %dma_wait3A_89 = tpu.memref_slice %arg2[%dma_wait3A_87, %dma_wait3A_88] : memref<10000x128xf32, #tpu.memory_space<hbm>> -> memref<16x128xf32, #tpu.memory_space<hbm>>
        tpu.wait_dma2 semaphore(%run_scoped3A_79 : memref<!tpu.dma_semaphore, #tpu.memory_space<semaphore_mem>>) src(%dma_wait3A_89 : memref<16x128xf32, #tpu.memory_space<hbm>>) dst(%dma_wait3A_86 : memref<16x128xf32, #tpu.memory_space<vmem_shared>>)
        tpu.yield
      }) : () -> ()
    } else {
    }
    %barrier3A_60 = arith.constant 0 : index
    tpu.barrier barrier_id(%barrier3A_60)
    %scan3A_61 = arith.constant 0 : i32
    %scan3A_62 = arith.constant 0 : i32
    %scan3A_63 = arith.constant 79 : i32
    %scan3A_64 = arith.addi %scan3A_62, %scan3A_63 : i32
    %scan3A_65 = arith.constant 1 : i32
    scf.for %scan3A_79 = %scan3A_62 to %scan3A_64 step %scan3A_65  : i32 {
      %mul3A_80 = arith.constant 79 : i32
      %mul3A_81 = arith.muli %add3A, %mul3A_80 : i32
      %add3A_82 = arith.addi %mul3A_81, %scan3A_79 : i32
      %mul3A_83 = arith.constant 128 : i32
      %mul3A_84 = arith.muli %add3A_82, %mul3A_83 : i32
      "tpu.region"() ({
        %run_scoped3A_89 = tpu.sem_alloc : memref<!tpu.dma_semaphore, #tpu.memory_space<semaphore_mem>>
        %dma_start3A_90 = tpu.memref_slice %arg5[%mul3A_84] : memref<323584xi32, #tpu.memory_space<hbm>> -> memref<128xi32, #tpu.memory_space<hbm>>
        %dma_start3A_91 = tpu.memref_slice %arg5[%mul3A_84] : memref<323584xi32, #tpu.memory_space<hbm>> -> memref<128xi32, #tpu.memory_space<hbm>>
        tpu.enqueue_dma source(%dma_start3A_91 : memref<128xi32, #tpu.memory_space<hbm>>) target(%arg10 : memref<128xi32, #tpu.memory_space<vmem>>) target_semaphore(%run_scoped3A_89 : memref<!tpu.dma_semaphore, #tpu.memory_space<semaphore_mem>>)
        %dma_wait3A_92 = tpu.memref_slice %arg5[%mul3A_84] : memref<323584xi32, #tpu.memory_space<hbm>> -> memref<128xi32, #tpu.memory_space<hbm>>
        %dma_wait3A_93 = tpu.memref_slice %arg5[%mul3A_84] : memref<323584xi32, #tpu.memory_space<hbm>> -> memref<128xi32, #tpu.memory_space<hbm>>
        tpu.wait_dma2 semaphore(%run_scoped3A_89 : memref<!tpu.dma_semaphore, #tpu.memory_space<semaphore_mem>>) src(%dma_wait3A_93 : memref<128xi32, #tpu.memory_space<hbm>>) dst(%arg10 : memref<128xi32, #tpu.memory_space<vmem>>)
        tpu.yield
      }) : () -> ()
      "tpu.region"() ({
        %run_scoped3A_89 = tpu.sem_alloc : memref<!tpu.dma_semaphore, #tpu.memory_space<semaphore_mem>>
        %dma_start3A_90 = tpu.memref_slice %arg8[%mul3A_84] : memref<323584xi32, #tpu.memory_space<hbm>> -> memref<128xi32, #tpu.memory_space<hbm>>
        %dma_start3A_91 = tpu.memref_slice %arg8[%mul3A_84] : memref<323584xi32, #tpu.memory_space<hbm>> -> memref<128xi32, #tpu.memory_space<hbm>>
        tpu.enqueue_dma source(%dma_start3A_91 : memref<128xi32, #tpu.memory_space<hbm>>) target(%arg11 : memref<128xi32, #tpu.memory_space<vmem>>) target_semaphore(%run_scoped3A_89 : memref<!tpu.dma_semaphore, #tpu.memory_space<semaphore_mem>>)
        %dma_wait3A_92 = tpu.memref_slice %arg8[%mul3A_84] : memref<323584xi32, #tpu.memory_space<hbm>> -> memref<128xi32, #tpu.memory_space<hbm>>
        %dma_wait3A_93 = tpu.memref_slice %arg8[%mul3A_84] : memref<323584xi32, #tpu.memory_space<hbm>> -> memref<128xi32, #tpu.memory_space<hbm>>
        tpu.wait_dma2 semaphore(%run_scoped3A_89 : memref<!tpu.dma_semaphore, #tpu.memory_space<semaphore_mem>>) src(%dma_wait3A_93 : memref<128xi32, #tpu.memory_space<hbm>>) dst(%arg11 : memref<128xi32, #tpu.memory_space<vmem>>)
        tpu.yield
      }) : () -> ()
      %dma_start3A = arith.constant 0 : i32
      %dma_start3A_85 = arith.constant 0 : i32
      %dma_start3A_86 = tpu.memref_slice %arg2[%dma_start3A, %dma_start3A_85] : memref<10000x128xf32, #tpu.memory_space<hbm>> -> memref<10000x128xf32, #tpu.memory_space<hbm>>
      tpu.enqueue_indirect_dma source(%dma_start3A_86 : memref<10000x128xf32, #tpu.memory_space<hbm>>) target(%arg12 : memref<128x128xf32, #tpu.memory_space<vmem>>) offsets(%arg10 : memref<128xi32, #tpu.memory_space<vmem>>) semaphore(%arg14 : memref<!tpu.dma_semaphore, #tpu.memory_space<semaphore_mem>>)
      %dma_wait3A = arith.constant 0 : i32
      %dma_wait3A_87 = arith.constant 0 : i32
      %dma_wait3A_88 = tpu.memref_slice %arg2[%dma_wait3A, %dma_wait3A_87] : memref<10000x128xf32, #tpu.memory_space<hbm>> -> memref<10000x128xf32, #tpu.memory_space<hbm>>
      tpu.wait_indirect_dma semaphore(%arg14 : memref<!tpu.dma_semaphore, #tpu.memory_space<semaphore_mem>>) src(%dma_wait3A_88 : memref<10000x128xf32, #tpu.memory_space<hbm>>) dst(%arg12 : memref<128x128xf32, #tpu.memory_space<vmem>>)
      "tpu.region"() ({
        %run_scoped3A_89 = tpu.sem_alloc : memref<!tpu.dma_semaphore, #tpu.memory_space<semaphore_mem>>
        %dma_start3A_90 = arith.constant 0 : i32
        %dma_start3A_91 = arith.constant 0 : i32
        %dma_start3A_92 = tpu.memref_slice %arg13[%dma_start3A_90, %dma_start3A_91] : memref<10016x128xf32, #tpu.memory_space<vmem_shared>> -> memref<10016x128xf32, #tpu.memory_space<vmem_shared>>
        tpu.enqueue_indirect_dma source(%arg12 : memref<128x128xf32, #tpu.memory_space<vmem>>) target(%dma_start3A_92 : memref<10016x128xf32, #tpu.memory_space<vmem_shared>>) offsets(%arg11 : memref<128xi32, #tpu.memory_space<vmem>>) semaphore(%run_scoped3A_89 : memref<!tpu.dma_semaphore, #tpu.memory_space<semaphore_mem>>) {add = true}
        %dma_wait3A_93 = arith.constant 0 : i32
        %dma_wait3A_94 = arith.constant 0 : i32
        %dma_wait3A_95 = tpu.memref_slice %arg13[%dma_wait3A_93, %dma_wait3A_94] : memref<10016x128xf32, #tpu.memory_space<vmem_shared>> -> memref<10016x128xf32, #tpu.memory_space<vmem_shared>>
        tpu.wait_indirect_dma semaphore(%run_scoped3A_89 : memref<!tpu.dma_semaphore, #tpu.memory_space<semaphore_mem>>) src(%arg12 : memref<128x128xf32, #tpu.memory_space<vmem>>) dst(%dma_wait3A_95 : memref<10016x128xf32, #tpu.memory_space<vmem_shared>>)
        tpu.yield
      }) : () -> ()
    }
    %scan3A_66 = arith.constant 79 : i32
    %barrier3A_67 = arith.constant 0 : index
    tpu.barrier barrier_id(%barrier3A_67)
    %mul3A_68 = arith.constant 624 : i32
    %mul3A_69 = arith.muli %arg1, %mul3A_68 : i32
    %mul3A_70 = arith.constant 624 : i32
    %mul3A_71 = arith.muli %arg1, %mul3A_70 : i32
    %run_scoped3A_72 = arith.constant 2 : i32
    "tpu.region"() ({
      %run_scoped3A_79 = tpu.sem_alloc : memref<!tpu.dma_semaphore, #tpu.memory_space<semaphore_mem>>
      %dma_start3A = arith.constant 0 : i32
      %dma_start3A_80 = tpu.memref_slice %arg9[%run_scoped3A_72, %arg0, %mul3A_71, %dma_start3A] : memref<3x2x10000x128xf32, #tpu.memory_space<hbm>> -> memref<1x1x624x128xf32, #tpu.memory_space<hbm>>
      %dma_start3A_81 = tpu.memref_squeeze %dma_start3A_80 : memref<1x1x624x128xf32, #tpu.memory_space<hbm>> -> memref<624x128xf32, #tpu.memory_space<hbm>>
      %dma_start3A_82 = arith.constant 0 : i32
      %dma_start3A_83 = tpu.memref_slice %arg13[%mul3A_69, %dma_start3A_82] : memref<10016x128xf32, #tpu.memory_space<vmem_shared>> -> memref<624x128xf32, #tpu.memory_space<vmem_shared>>
      tpu.enqueue_dma source(%dma_start3A_83 : memref<624x128xf32, #tpu.memory_space<vmem_shared>>) target(%dma_start3A_81 : memref<624x128xf32, #tpu.memory_space<hbm>>) target_semaphore(%run_scoped3A_79 : memref<!tpu.dma_semaphore, #tpu.memory_space<semaphore_mem>>)
      %dma_wait3A = arith.constant 0 : i32
      %dma_wait3A_84 = tpu.memref_slice %arg9[%run_scoped3A_72, %arg0, %mul3A_71, %dma_wait3A] : memref<3x2x10000x128xf32, #tpu.memory_space<hbm>> -> memref<1x1x624x128xf32, #tpu.memory_space<hbm>>
      %dma_wait3A_85 = tpu.memref_squeeze %dma_wait3A_84 : memref<1x1x624x128xf32, #tpu.memory_space<hbm>> -> memref<624x128xf32, #tpu.memory_space<hbm>>
      %dma_wait3A_86 = arith.constant 0 : i32
      %dma_wait3A_87 = tpu.memref_slice %arg13[%mul3A_69, %dma_wait3A_86] : memref<10016x128xf32, #tpu.memory_space<vmem_shared>> -> memref<624x128xf32, #tpu.memory_space<vmem_shared>>
      tpu.wait_dma2 semaphore(%run_scoped3A_79 : memref<!tpu.dma_semaphore, #tpu.memory_space<semaphore_mem>>) src(%dma_wait3A_87 : memref<624x128xf32, #tpu.memory_space<vmem_shared>>) dst(%dma_wait3A_85 : memref<624x128xf32, #tpu.memory_space<hbm>>)
      tpu.yield
    }) : () -> ()
    %eq3A_73 = arith.constant 15 : i32
    %eq3A_74 = arith.cmpi eq, %arg1, %eq3A_73 : i32
    %convert_element_type3A_75 = arith.extui %eq3A_74 : i1 to i32
    %cond3A_76 = arith.constant 0 : i32
    %cond3A_77 = arith.cmpi ne, %convert_element_type3A_75, %cond3A_76 : i32
    scf.if %cond3A_77 {
      %run_scoped3A_79 = arith.constant 2 : i32
      "tpu.region"() ({
        %run_scoped3A_80 = tpu.sem_alloc : memref<!tpu.dma_semaphore, #tpu.memory_space<semaphore_mem>>
        %dma_start3A = arith.constant 9984 : i32
        %dma_start3A_81 = arith.constant 0 : i32
        %dma_start3A_82 = tpu.memref_slice %arg9[%run_scoped3A_79, %arg0, %dma_start3A, %dma_start3A_81] : memref<3x2x10000x128xf32, #tpu.memory_space<hbm>> -> memref<1x1x16x128xf32, #tpu.memory_space<hbm>>
        %dma_start3A_83 = tpu.memref_squeeze %dma_start3A_82 : memref<1x1x16x128xf32, #tpu.memory_space<hbm>> -> memref<16x128xf32, #tpu.memory_space<hbm>>
        %dma_start3A_84 = arith.constant 9984 : i32
        %dma_start3A_85 = arith.constant 0 : i32
        %dma_start3A_86 = tpu.memref_slice %arg13[%dma_start3A_84, %dma_start3A_85] : memref<10016x128xf32, #tpu.memory_space<vmem_shared>> -> memref<16x128xf32, #tpu.memory_space<vmem_shared>>
        tpu.enqueue_dma source(%dma_start3A_86 : memref<16x128xf32, #tpu.memory_space<vmem_shared>>) target(%dma_start3A_83 : memref<16x128xf32, #tpu.memory_space<hbm>>) target_semaphore(%run_scoped3A_80 : memref<!tpu.dma_semaphore, #tpu.memory_space<semaphore_mem>>)
        %dma_wait3A = arith.constant 9984 : i32
        %dma_wait3A_87 = arith.constant 0 : i32
        %dma_wait3A_88 = tpu.memref_slice %arg9[%run_scoped3A_79, %arg0, %dma_wait3A, %dma_wait3A_87] : memref<3x2x10000x128xf32, #tpu.memory_space<hbm>> -> memref<1x1x16x128xf32, #tpu.memory_space<hbm>>
        %dma_wait3A_89 = tpu.memref_squeeze %dma_wait3A_88 : memref<1x1x16x128xf32, #tpu.memory_space<hbm>> -> memref<16x128xf32, #tpu.memory_space<hbm>>
        %dma_wait3A_90 = arith.constant 9984 : i32
        %dma_wait3A_91 = arith.constant 0 : i32
        %dma_wait3A_92 = tpu.memref_slice %arg13[%dma_wait3A_90, %dma_wait3A_91] : memref<10016x128xf32, #tpu.memory_space<vmem_shared>> -> memref<16x128xf32, #tpu.memory_space<vmem_shared>>
        tpu.wait_dma2 semaphore(%run_scoped3A_80 : memref<!tpu.dma_semaphore, #tpu.memory_space<semaphore_mem>>) src(%dma_wait3A_92 : memref<16x128xf32, #tpu.memory_space<vmem_shared>>) dst(%dma_wait3A_89 : memref<16x128xf32, #tpu.memory_space<hbm>>)
        tpu.yield
      }) : () -> ()
    } else {
    }
    %barrier3A_78 = arith.constant 0 : index
    tpu.barrier barrier_id(%barrier3A_78)
    return
  }
}

module attributes {stable_mosaic.version = 14 : i64} {
  func.func @_pre_body(%arg0: i32, %arg1: memref<1000x128xf32, #tpu.memory_space<vmem>>, %arg2: memref<128x128xf32, #tpu.memory_space<vmem>>, %arg3: memref<1000x128xf32, #tpu.memory_space<vmem>>) attributes {dimension_semantics = [#tpu.dimension_semantics<arbitrary>], iteration_bounds = array<i64: 10>, scalar_prefetch = 0 : i64, scratch_operands = 0 : i64, tpu.core_type = #tpu.core_type<tc>, window_params = [{transform_indices = @transform_0, window_bounds = array<i64: 1000, 128>}, {pipeline_mode = #tpu.pipeline_mode<synchronous>, transform_indices = @transform_1, window_bounds = array<i64: 128, 128>}, {transform_indices = @transform_2, window_bounds = array<i64: 1000, 128>}]} {
    %get3A = arith.constant 0 : index
    %get3A_0 = arith.constant 0 : index
    %get3A_1 = vector.load %arg1[%get3A, %get3A_0] : memref<1000x128xf32, #tpu.memory_space<vmem>>, vector<1000x128xf32>
    %get3A_2 = arith.constant 0 : index
    %get3A_3 = arith.constant 0 : index
    %get3A_4 = vector.load %arg2[%get3A_2, %get3A_3] : memref<128x128xf32, #tpu.memory_space<vmem>>, vector<128x128xf32>
    %dot_general3A = arith.constant dense<0.000000e+00> : vector<1000x128xf32>
    %dot_general3A_5 = tpu.matmul %get3A_1, %get3A_4, %dot_general3A {dimension_numbers = #tpu.dot_dimension_numbers<[1], [0], [0], [1], [0, 0, 1, 1], [], []>, transpose_lhs_hint = false} : vector<1000x128xf32>, vector<128x128xf32>, vector<1000x128xf32> -> vector<1000x128xf32>
    %max3A = arith.constant 0.000000e+00 : f32
    %max3A_6 = vector.broadcast %max3A : f32 to vector<1000x128xf32>
    %max3A_7 = arith.maximumf %dot_general3A_5, %max3A_6 : vector<1000x128xf32>
    %swap3A = arith.constant 0 : index
    %swap3A_8 = arith.constant 0 : index
    %swap3A_9 = vector.load %arg3[%swap3A, %swap3A_8] : memref<1000x128xf32, #tpu.memory_space<vmem>>, vector<1000x128xf32>
    tpu.vector_store %arg3[%swap3A, %swap3A_8], %max3A_7 {strides = array<i32>} : memref<1000x128xf32, #tpu.memory_space<vmem>>, vector<1000x128xf32>,
    return
  }
  func.func @transform_0(%arg0: i32) -> (i32, i32) {
    %c0_i32 = arith.constant 0 : i32
    %c0_i32_0 = arith.constant 0 : i32
    return %arg0, %c0_i32 : i32, i32
  }
  func.func @transform_1(%arg0: i32) -> (i32, i32) {
    %c0_i32 = arith.constant 0 : i32
    %c0_i32_0 = arith.constant 0 : i32
    %c0_i32_1 = arith.constant 0 : i32
    return %c0_i32, %c0_i32_0 : i32, i32
  }
  func.func @transform_2(%arg0: i32) -> (i32, i32) {
    %c0_i32 = arith.constant 0 : i32
    %c0_i32_0 = arith.constant 0 : i32
    return %arg0, %c0_i32 : i32, i32
  }
}

module attributes {stable_mosaic.version = 14 : i64} {
  func.func @_layer_body(%arg0: i32, %arg1: memref<1xf32, #tpu.memory_space<smem>>, %arg2: memref<1000x128xf32, #tpu.memory_space<vmem>>, %arg3: memref<3x2x1000x128xf32, #tpu.memory_space<vmem>>, %arg4: memref<3x128x128xf32, #tpu.memory_space<vmem>>, %arg5: memref<3x128x128xf32, #tpu.memory_space<vmem>>, %arg6: memref<1000x128xf32, #tpu.memory_space<vmem>>) attributes {dimension_semantics = [#tpu.dimension_semantics<arbitrary>], iteration_bounds = array<i64: 10>, scalar_prefetch = 0 : i64, scratch_operands = 0 : i64, tpu.core_type = #tpu.core_type<tc>, window_params = [{transform_indices = @transform_0, window_bounds = array<i64: 1>}, {transform_indices = @transform_1, window_bounds = array<i64: 1000, 128>}, {transform_indices = @transform_2, window_bounds = array<i64: 3, 2, 1000, 128>}, {pipeline_mode = #tpu.pipeline_mode<synchronous>, transform_indices = @transform_3, window_bounds = array<i64: 3, 128, 128>}, {pipeline_mode = #tpu.pipeline_mode<synchronous>, transform_indices = @transform_4, window_bounds = array<i64: 3, 128, 128>}, {transform_indices = @transform_5, window_bounds = array<i64: 1000, 128>}]} {
    %get3A = arith.constant 0 : index
    %get3A_0 = arith.constant 0 : index
    %get3A_1 = vector.load %arg2[%get3A, %get3A_0] : memref<1000x128xf32, #tpu.memory_space<vmem>>, vector<1000x128xf32>
    %get3A_2 = arith.constant 0 : index
    %get3A_3 = memref.load %arg1[%get3A_2] : memref<1xf32, #tpu.memory_space<smem>>
    %add3A = arith.constant 1.000000e+00 : f32
    %add3A_4 = arith.addf %add3A, %get3A_3 : f32
    %mul3A = vector.broadcast %add3A_4 : f32 to vector<1000x128xf32>
    %mul3A_5 = arith.mulf %mul3A, %get3A_1 : vector<1000x128xf32>
    %get3A_6 = arith.constant 0 : index
    %get3A_7 = arith.constant 0 : index
    %get3A_8 = arith.constant 0 : index
    %get3A_9 = arith.constant 0 : index
    %get3A_10 = vector.load %arg3[%get3A_6, %get3A_7, %get3A_8, %get3A_9] : memref<3x2x1000x128xf32, #tpu.memory_space<vmem>>, vector<1x1x1000x128xf32>
    %get3A_11 = vector.shape_cast %get3A_10 : vector<1x1x1000x128xf32> to vector<1000x128xf32>
    %get3A_12 = arith.constant 0 : index
    %get3A_13 = arith.constant 1 : index
    %get3A_14 = arith.constant 0 : index
    %get3A_15 = arith.constant 0 : index
    %get3A_16 = vector.load %arg3[%get3A_12, %get3A_13, %get3A_14, %get3A_15] : memref<3x2x1000x128xf32, #tpu.memory_space<vmem>>, vector<1x1x1000x128xf32>
    %get3A_17 = vector.shape_cast %get3A_16 : vector<1x1x1000x128xf32> to vector<1000x128xf32>
    %add3A_18 = arith.addf %get3A_11, %get3A_17 : vector<1000x128xf32>
    %sub3A = arith.subf %add3A_18, %get3A_1 : vector<1000x128xf32>
    %get3A_19 = arith.constant 0 : index
    %get3A_20 = arith.constant 0 : index
    %get3A_21 = arith.constant 0 : index
    %get3A_22 = vector.load %arg4[%get3A_19, %get3A_20, %get3A_21] : memref<3x128x128xf32, #tpu.memory_space<vmem>>, vector<1x128x128xf32>
    %get3A_23 = vector.shape_cast %get3A_22 : vector<1x128x128xf32> to vector<128x128xf32>
    %dot_general3A = arith.constant dense<0.000000e+00> : vector<1000x128xf32>
    %dot_general3A_24 = tpu.matmul %sub3A, %get3A_23, %dot_general3A {dimension_numbers = #tpu.dot_dimension_numbers<[1], [0], [0], [1], [0, 0, 1, 1], [], []>, transpose_lhs_hint = false} : vector<1000x128xf32>, vector<128x128xf32>, vector<1000x128xf32> -> vector<1000x128xf32>
    %max3A = arith.constant 0.000000e+00 : f32
    %max3A_25 = vector.broadcast %max3A : f32 to vector<1000x128xf32>
    %max3A_26 = arith.maximumf %dot_general3A_24, %max3A_25 : vector<1000x128xf32>
    %get3A_27 = arith.constant 0 : index
    %get3A_28 = arith.constant 0 : index
    %get3A_29 = arith.constant 0 : index
    %get3A_30 = vector.load %arg5[%get3A_27, %get3A_28, %get3A_29] : memref<3x128x128xf32, #tpu.memory_space<vmem>>, vector<1x128x128xf32>
    %get3A_31 = vector.shape_cast %get3A_30 : vector<1x128x128xf32> to vector<128x128xf32>
    %dot_general3A_32 = arith.constant dense<0.000000e+00> : vector<1000x128xf32>
    %dot_general3A_33 = tpu.matmul %max3A_26, %get3A_31, %dot_general3A_32 {dimension_numbers = #tpu.dot_dimension_numbers<[1], [0], [0], [1], [0, 0, 1, 1], [], []>, transpose_lhs_hint = false} : vector<1000x128xf32>, vector<128x128xf32>, vector<1000x128xf32> -> vector<1000x128xf32>
    %add3A_34 = arith.addf %mul3A_5, %dot_general3A_33 : vector<1000x128xf32>
    %get3A_35 = arith.constant 1 : index
    %get3A_36 = arith.constant 0 : index
    %get3A_37 = arith.constant 0 : index
    %get3A_38 = arith.constant 0 : index
    %get3A_39 = vector.load %arg3[%get3A_35, %get3A_36, %get3A_37, %get3A_38] : memref<3x2x1000x128xf32, #tpu.memory_space<vmem>>, vector<1x1x1000x128xf32>
    %get3A_40 = vector.shape_cast %get3A_39 : vector<1x1x1000x128xf32> to vector<1000x128xf32>
    %get3A_41 = arith.constant 1 : index
    %get3A_42 = arith.constant 1 : index
    %get3A_43 = arith.constant 0 : index
    %get3A_44 = arith.constant 0 : index
    %get3A_45 = vector.load %arg3[%get3A_41, %get3A_42, %get3A_43, %get3A_44] : memref<3x2x1000x128xf32, #tpu.memory_space<vmem>>, vector<1x1x1000x128xf32>
    %get3A_46 = vector.shape_cast %get3A_45 : vector<1x1x1000x128xf32> to vector<1000x128xf32>
    %add3A_47 = arith.addf %get3A_40, %get3A_46 : vector<1000x128xf32>
    %sub3A_48 = arith.subf %add3A_47, %get3A_1 : vector<1000x128xf32>
    %get3A_49 = arith.constant 1 : index
    %get3A_50 = arith.constant 0 : index
    %get3A_51 = arith.constant 0 : index
    %get3A_52 = vector.load %arg4[%get3A_49, %get3A_50, %get3A_51] : memref<3x128x128xf32, #tpu.memory_space<vmem>>, vector<1x128x128xf32>
    %get3A_53 = vector.shape_cast %get3A_52 : vector<1x128x128xf32> to vector<128x128xf32>
    %dot_general3A_54 = arith.constant dense<0.000000e+00> : vector<1000x128xf32>
    %dot_general3A_55 = tpu.matmul %sub3A_48, %get3A_53, %dot_general3A_54 {dimension_numbers = #tpu.dot_dimension_numbers<[1], [0], [0], [1], [0, 0, 1, 1], [], []>, transpose_lhs_hint = false} : vector<1000x128xf32>, vector<128x128xf32>, vector<1000x128xf32> -> vector<1000x128xf32>
    %max3A_56 = arith.constant 0.000000e+00 : f32
    %max3A_57 = vector.broadcast %max3A_56 : f32 to vector<1000x128xf32>
    %max3A_58 = arith.maximumf %dot_general3A_55, %max3A_57 : vector<1000x128xf32>
    %get3A_59 = arith.constant 1 : index
    %get3A_60 = arith.constant 0 : index
    %get3A_61 = arith.constant 0 : index
    %get3A_62 = vector.load %arg5[%get3A_59, %get3A_60, %get3A_61] : memref<3x128x128xf32, #tpu.memory_space<vmem>>, vector<1x128x128xf32>
    %get3A_63 = vector.shape_cast %get3A_62 : vector<1x128x128xf32> to vector<128x128xf32>
    %dot_general3A_64 = arith.constant dense<0.000000e+00> : vector<1000x128xf32>
    %dot_general3A_65 = tpu.matmul %max3A_58, %get3A_63, %dot_general3A_64 {dimension_numbers = #tpu.dot_dimension_numbers<[1], [0], [0], [1], [0, 0, 1, 1], [], []>, transpose_lhs_hint = false} : vector<1000x128xf32>, vector<128x128xf32>, vector<1000x128xf32> -> vector<1000x128xf32>
    %add3A_66 = arith.addf %add3A_34, %dot_general3A_65 : vector<1000x128xf32>
    %get3A_67 = arith.constant 2 : index
    %get3A_68 = arith.constant 0 : index
    %get3A_69 = arith.constant 0 : index
    %get3A_70 = arith.constant 0 : index
    %get3A_71 = vector.load %arg3[%get3A_67, %get3A_68, %get3A_69, %get3A_70] : memref<3x2x1000x128xf32, #tpu.memory_space<vmem>>, vector<1x1x1000x128xf32>
    %get3A_72 = vector.shape_cast %get3A_71 : vector<1x1x1000x128xf32> to vector<1000x128xf32>
    %get3A_73 = arith.constant 2 : index
    %get3A_74 = arith.constant 1 : index
    %get3A_75 = arith.constant 0 : index
    %get3A_76 = arith.constant 0 : index
    %get3A_77 = vector.load %arg3[%get3A_73, %get3A_74, %get3A_75, %get3A_76] : memref<3x2x1000x128xf32, #tpu.memory_space<vmem>>, vector<1x1x1000x128xf32>
    %get3A_78 = vector.shape_cast %get3A_77 : vector<1x1x1000x128xf32> to vector<1000x128xf32>
    %add3A_79 = arith.addf %get3A_72, %get3A_78 : vector<1000x128xf32>
    %sub3A_80 = arith.subf %add3A_79, %get3A_1 : vector<1000x128xf32>
    %get3A_81 = arith.constant 2 : index
    %get3A_82 = arith.constant 0 : index
    %get3A_83 = arith.constant 0 : index
    %get3A_84 = vector.load %arg4[%get3A_81, %get3A_82, %get3A_83] : memref<3x128x128xf32, #tpu.memory_space<vmem>>, vector<1x128x128xf32>
    %get3A_85 = vector.shape_cast %get3A_84 : vector<1x128x128xf32> to vector<128x128xf32>
    %dot_general3A_86 = arith.constant dense<0.000000e+00> : vector<1000x128xf32>
    %dot_general3A_87 = tpu.matmul %sub3A_80, %get3A_85, %dot_general3A_86 {dimension_numbers = #tpu.dot_dimension_numbers<[1], [0], [0], [1], [0, 0, 1, 1], [], []>, transpose_lhs_hint = false} : vector<1000x128xf32>, vector<128x128xf32>, vector<1000x128xf32> -> vector<1000x128xf32>
    %max3A_88 = arith.constant 0.000000e+00 : f32
    %max3A_89 = vector.broadcast %max3A_88 : f32 to vector<1000x128xf32>
    %max3A_90 = arith.maximumf %dot_general3A_87, %max3A_89 : vector<1000x128xf32>
    %get3A_91 = arith.constant 2 : index
    %get3A_92 = arith.constant 0 : index
    %get3A_93 = arith.constant 0 : index
    %get3A_94 = vector.load %arg5[%get3A_91, %get3A_92, %get3A_93] : memref<3x128x128xf32, #tpu.memory_space<vmem>>, vector<1x128x128xf32>
    %get3A_95 = vector.shape_cast %get3A_94 : vector<1x128x128xf32> to vector<128x128xf32>
    %dot_general3A_96 = arith.constant dense<0.000000e+00> : vector<1000x128xf32>
    %dot_general3A_97 = tpu.matmul %max3A_90, %get3A_95, %dot_general3A_96 {dimension_numbers = #tpu.dot_dimension_numbers<[1], [0], [0], [1], [0, 0, 1, 1], [], []>, transpose_lhs_hint = false} : vector<1000x128xf32>, vector<128x128xf32>, vector<1000x128xf32> -> vector<1000x128xf32>
    %add3A_98 = arith.addf %add3A_66, %dot_general3A_97 : vector<1000x128xf32>
    %swap3A = arith.constant 0 : index
    %swap3A_99 = arith.constant 0 : index
    %swap3A_100 = vector.load %arg6[%swap3A, %swap3A_99] : memref<1000x128xf32, #tpu.memory_space<vmem>>, vector<1000x128xf32>
    tpu.vector_store %arg6[%swap3A, %swap3A_99], %add3A_98 {strides = array<i32>} : memref<1000x128xf32, #tpu.memory_space<vmem>>, vector<1000x128xf32>,
    return
  }
  func.func @transform_0(%arg0: i32) -> i32 {
    %c0_i32 = arith.constant 0 : i32
    %c0_i32_0 = arith.constant 0 : i32
    return %c0_i32 : i32
  }
  func.func @transform_1(%arg0: i32) -> (i32, i32) {
    %c0_i32 = arith.constant 0 : i32
    %c0_i32_0 = arith.constant 0 : i32
    return %arg0, %c0_i32 : i32, i32
  }
  func.func @transform_2(%arg0: i32) -> (i32, i32, i32, i32) {
    %c0_i32 = arith.constant 0 : i32
    %c0_i32_0 = arith.constant 0 : i32
    %c0_i32_1 = arith.constant 0 : i32
    %c0_i32_2 = arith.constant 0 : i32
    return %c0_i32, %c0_i32_0, %arg0, %c0_i32_1 : i32, i32, i32, i32
  }
  func.func @transform_3(%arg0: i32) -> (i32, i32, i32) {
    %c0_i32 = arith.constant 0 : i32
    %c0_i32_0 = arith.constant 0 : i32
    %c0_i32_1 = arith.constant 0 : i32
    %c0_i32_2 = arith.constant 0 : i32
    return %c0_i32, %c0_i32_0, %c0_i32_1 : i32, i32, i32
  }
  func.func @transform_4(%arg0: i32) -> (i32, i32, i32) {
    %c0_i32 = arith.constant 0 : i32
    %c0_i32_0 = arith.constant 0 : i32
    %c0_i32_1 = arith.constant 0 : i32
    %c0_i32_2 = arith.constant 0 : i32
    return %c0_i32, %c0_i32_0, %c0_i32_1 : i32, i32, i32
  }
  func.func @transform_5(%arg0: i32) -> (i32, i32) {
    %c0_i32 = arith.constant 0 : i32
    %c0_i32_0 = arith.constant 0 : i32
    return %arg0, %c0_i32 : i32, i32
  }
}

module attributes {stable_mosaic.version = 14 : i64} {
  func.func @_layer_head_body(%arg0: i32, %arg1: memref<1xf32, #tpu.memory_space<smem>>, %arg2: memref<1000x128xf32, #tpu.memory_space<vmem>>, %arg3: memref<3x2x1000x128xf32, #tpu.memory_space<vmem>>, %arg4: memref<3x128x128xf32, #tpu.memory_space<vmem>>, %arg5: memref<3x128x128xf32, #tpu.memory_space<vmem>>, %arg6: memref<128x64xf32, #tpu.memory_space<vmem>>, %arg7: memref<1x64xf32, #tpu.memory_space<vmem>>, %arg8: memref<1000x64xf32, #tpu.memory_space<vmem>>) attributes {dimension_semantics = [#tpu.dimension_semantics<arbitrary>], iteration_bounds = array<i64: 10>, scalar_prefetch = 0 : i64, scratch_operands = 0 : i64, tpu.core_type = #tpu.core_type<tc>, window_params = [{transform_indices = @transform_0, window_bounds = array<i64: 1>}, {transform_indices = @transform_1, window_bounds = array<i64: 1000, 128>}, {transform_indices = @transform_2, window_bounds = array<i64: 3, 2, 1000, 128>}, {pipeline_mode = #tpu.pipeline_mode<synchronous>, transform_indices = @transform_3, window_bounds = array<i64: 3, 128, 128>}, {pipeline_mode = #tpu.pipeline_mode<synchronous>, transform_indices = @transform_4, window_bounds = array<i64: 3, 128, 128>}, {pipeline_mode = #tpu.pipeline_mode<synchronous>, transform_indices = @transform_5, window_bounds = array<i64: 128, 64>}, {pipeline_mode = #tpu.pipeline_mode<synchronous>, transform_indices = @transform_6, window_bounds = array<i64: 1, 64>}, {transform_indices = @transform_7, window_bounds = array<i64: 1000, 64>}]} {
    %get3A = arith.constant 0 : index
    %get3A_0 = arith.constant 0 : index
    %get3A_1 = vector.load %arg2[%get3A, %get3A_0] : memref<1000x128xf32, #tpu.memory_space<vmem>>, vector<1000x128xf32>
    %get3A_2 = arith.constant 0 : index
    %get3A_3 = memref.load %arg1[%get3A_2] : memref<1xf32, #tpu.memory_space<smem>>
    %add3A = arith.constant 1.000000e+00 : f32
    %add3A_4 = arith.addf %add3A, %get3A_3 : f32
    %mul3A = vector.broadcast %add3A_4 : f32 to vector<1000x128xf32>
    %mul3A_5 = arith.mulf %mul3A, %get3A_1 : vector<1000x128xf32>
    %get3A_6 = arith.constant 0 : index
    %get3A_7 = arith.constant 0 : index
    %get3A_8 = arith.constant 0 : index
    %get3A_9 = arith.constant 0 : index
    %get3A_10 = vector.load %arg3[%get3A_6, %get3A_7, %get3A_8, %get3A_9] : memref<3x2x1000x128xf32, #tpu.memory_space<vmem>>, vector<1x1x1000x128xf32>
    %get3A_11 = vector.shape_cast %get3A_10 : vector<1x1x1000x128xf32> to vector<1000x128xf32>
    %get3A_12 = arith.constant 0 : index
    %get3A_13 = arith.constant 1 : index
    %get3A_14 = arith.constant 0 : index
    %get3A_15 = arith.constant 0 : index
    %get3A_16 = vector.load %arg3[%get3A_12, %get3A_13, %get3A_14, %get3A_15] : memref<3x2x1000x128xf32, #tpu.memory_space<vmem>>, vector<1x1x1000x128xf32>
    %get3A_17 = vector.shape_cast %get3A_16 : vector<1x1x1000x128xf32> to vector<1000x128xf32>
    %add3A_18 = arith.addf %get3A_11, %get3A_17 : vector<1000x128xf32>
    %sub3A = arith.subf %add3A_18, %get3A_1 : vector<1000x128xf32>
    %get3A_19 = arith.constant 0 : index
    %get3A_20 = arith.constant 0 : index
    %get3A_21 = arith.constant 0 : index
    %get3A_22 = vector.load %arg4[%get3A_19, %get3A_20, %get3A_21] : memref<3x128x128xf32, #tpu.memory_space<vmem>>, vector<1x128x128xf32>
    %get3A_23 = vector.shape_cast %get3A_22 : vector<1x128x128xf32> to vector<128x128xf32>
    %dot_general3A = arith.constant dense<0.000000e+00> : vector<1000x128xf32>
    %dot_general3A_24 = tpu.matmul %sub3A, %get3A_23, %dot_general3A {dimension_numbers = #tpu.dot_dimension_numbers<[1], [0], [0], [1], [0, 0, 1, 1], [], []>, transpose_lhs_hint = false} : vector<1000x128xf32>, vector<128x128xf32>, vector<1000x128xf32> -> vector<1000x128xf32>
    %max3A = arith.constant 0.000000e+00 : f32
    %max3A_25 = vector.broadcast %max3A : f32 to vector<1000x128xf32>
    %max3A_26 = arith.maximumf %dot_general3A_24, %max3A_25 : vector<1000x128xf32>
    %get3A_27 = arith.constant 0 : index
    %get3A_28 = arith.constant 0 : index
    %get3A_29 = arith.constant 0 : index
    %get3A_30 = vector.load %arg5[%get3A_27, %get3A_28, %get3A_29] : memref<3x128x128xf32, #tpu.memory_space<vmem>>, vector<1x128x128xf32>
    %get3A_31 = vector.shape_cast %get3A_30 : vector<1x128x128xf32> to vector<128x128xf32>
    %dot_general3A_32 = arith.constant dense<0.000000e+00> : vector<1000x128xf32>
    %dot_general3A_33 = tpu.matmul %max3A_26, %get3A_31, %dot_general3A_32 {dimension_numbers = #tpu.dot_dimension_numbers<[1], [0], [0], [1], [0, 0, 1, 1], [], []>, transpose_lhs_hint = false} : vector<1000x128xf32>, vector<128x128xf32>, vector<1000x128xf32> -> vector<1000x128xf32>
    %add3A_34 = arith.addf %mul3A_5, %dot_general3A_33 : vector<1000x128xf32>
    %get3A_35 = arith.constant 1 : index
    %get3A_36 = arith.constant 0 : index
    %get3A_37 = arith.constant 0 : index
    %get3A_38 = arith.constant 0 : index
    %get3A_39 = vector.load %arg3[%get3A_35, %get3A_36, %get3A_37, %get3A_38] : memref<3x2x1000x128xf32, #tpu.memory_space<vmem>>, vector<1x1x1000x128xf32>
    %get3A_40 = vector.shape_cast %get3A_39 : vector<1x1x1000x128xf32> to vector<1000x128xf32>
    %get3A_41 = arith.constant 1 : index
    %get3A_42 = arith.constant 1 : index
    %get3A_43 = arith.constant 0 : index
    %get3A_44 = arith.constant 0 : index
    %get3A_45 = vector.load %arg3[%get3A_41, %get3A_42, %get3A_43, %get3A_44] : memref<3x2x1000x128xf32, #tpu.memory_space<vmem>>, vector<1x1x1000x128xf32>
    %get3A_46 = vector.shape_cast %get3A_45 : vector<1x1x1000x128xf32> to vector<1000x128xf32>
    %add3A_47 = arith.addf %get3A_40, %get3A_46 : vector<1000x128xf32>
    %sub3A_48 = arith.subf %add3A_47, %get3A_1 : vector<1000x128xf32>
    %get3A_49 = arith.constant 1 : index
    %get3A_50 = arith.constant 0 : index
    %get3A_51 = arith.constant 0 : index
    %get3A_52 = vector.load %arg4[%get3A_49, %get3A_50, %get3A_51] : memref<3x128x128xf32, #tpu.memory_space<vmem>>, vector<1x128x128xf32>
    %get3A_53 = vector.shape_cast %get3A_52 : vector<1x128x128xf32> to vector<128x128xf32>
    %dot_general3A_54 = arith.constant dense<0.000000e+00> : vector<1000x128xf32>
    %dot_general3A_55 = tpu.matmul %sub3A_48, %get3A_53, %dot_general3A_54 {dimension_numbers = #tpu.dot_dimension_numbers<[1], [0], [0], [1], [0, 0, 1, 1], [], []>, transpose_lhs_hint = false} : vector<1000x128xf32>, vector<128x128xf32>, vector<1000x128xf32> -> vector<1000x128xf32>
    %max3A_56 = arith.constant 0.000000e+00 : f32
    %max3A_57 = vector.broadcast %max3A_56 : f32 to vector<1000x128xf32>
    %max3A_58 = arith.maximumf %dot_general3A_55, %max3A_57 : vector<1000x128xf32>
    %get3A_59 = arith.constant 1 : index
    %get3A_60 = arith.constant 0 : index
    %get3A_61 = arith.constant 0 : index
    %get3A_62 = vector.load %arg5[%get3A_59, %get3A_60, %get3A_61] : memref<3x128x128xf32, #tpu.memory_space<vmem>>, vector<1x128x128xf32>
    %get3A_63 = vector.shape_cast %get3A_62 : vector<1x128x128xf32> to vector<128x128xf32>
    %dot_general3A_64 = arith.constant dense<0.000000e+00> : vector<1000x128xf32>
    %dot_general3A_65 = tpu.matmul %max3A_58, %get3A_63, %dot_general3A_64 {dimension_numbers = #tpu.dot_dimension_numbers<[1], [0], [0], [1], [0, 0, 1, 1], [], []>, transpose_lhs_hint = false} : vector<1000x128xf32>, vector<128x128xf32>, vector<1000x128xf32> -> vector<1000x128xf32>
    %add3A_66 = arith.addf %add3A_34, %dot_general3A_65 : vector<1000x128xf32>
    %get3A_67 = arith.constant 2 : index
    %get3A_68 = arith.constant 0 : index
    %get3A_69 = arith.constant 0 : index
    %get3A_70 = arith.constant 0 : index
    %get3A_71 = vector.load %arg3[%get3A_67, %get3A_68, %get3A_69, %get3A_70] : memref<3x2x1000x128xf32, #tpu.memory_space<vmem>>, vector<1x1x1000x128xf32>
    %get3A_72 = vector.shape_cast %get3A_71 : vector<1x1x1000x128xf32> to vector<1000x128xf32>
    %get3A_73 = arith.constant 2 : index
    %get3A_74 = arith.constant 1 : index
    %get3A_75 = arith.constant 0 : index
    %get3A_76 = arith.constant 0 : index
    %get3A_77 = vector.load %arg3[%get3A_73, %get3A_74, %get3A_75, %get3A_76] : memref<3x2x1000x128xf32, #tpu.memory_space<vmem>>, vector<1x1x1000x128xf32>
    %get3A_78 = vector.shape_cast %get3A_77 : vector<1x1x1000x128xf32> to vector<1000x128xf32>
    %add3A_79 = arith.addf %get3A_72, %get3A_78 : vector<1000x128xf32>
    %sub3A_80 = arith.subf %add3A_79, %get3A_1 : vector<1000x128xf32>
    %get3A_81 = arith.constant 2 : index
    %get3A_82 = arith.constant 0 : index
    %get3A_83 = arith.constant 0 : index
    %get3A_84 = vector.load %arg4[%get3A_81, %get3A_82, %get3A_83] : memref<3x128x128xf32, #tpu.memory_space<vmem>>, vector<1x128x128xf32>
    %get3A_85 = vector.shape_cast %get3A_84 : vector<1x128x128xf32> to vector<128x128xf32>
    %dot_general3A_86 = arith.constant dense<0.000000e+00> : vector<1000x128xf32>
    %dot_general3A_87 = tpu.matmul %sub3A_80, %get3A_85, %dot_general3A_86 {dimension_numbers = #tpu.dot_dimension_numbers<[1], [0], [0], [1], [0, 0, 1, 1], [], []>, transpose_lhs_hint = false} : vector<1000x128xf32>, vector<128x128xf32>, vector<1000x128xf32> -> vector<1000x128xf32>
    %max3A_88 = arith.constant 0.000000e+00 : f32
    %max3A_89 = vector.broadcast %max3A_88 : f32 to vector<1000x128xf32>
    %max3A_90 = arith.maximumf %dot_general3A_87, %max3A_89 : vector<1000x128xf32>
    %get3A_91 = arith.constant 2 : index
    %get3A_92 = arith.constant 0 : index
    %get3A_93 = arith.constant 0 : index
    %get3A_94 = vector.load %arg5[%get3A_91, %get3A_92, %get3A_93] : memref<3x128x128xf32, #tpu.memory_space<vmem>>, vector<1x128x128xf32>
    %get3A_95 = vector.shape_cast %get3A_94 : vector<1x128x128xf32> to vector<128x128xf32>
    %dot_general3A_96 = arith.constant dense<0.000000e+00> : vector<1000x128xf32>
    %dot_general3A_97 = tpu.matmul %max3A_90, %get3A_95, %dot_general3A_96 {dimension_numbers = #tpu.dot_dimension_numbers<[1], [0], [0], [1], [0, 0, 1, 1], [], []>, transpose_lhs_hint = false} : vector<1000x128xf32>, vector<128x128xf32>, vector<1000x128xf32> -> vector<1000x128xf32>
    %add3A_98 = arith.addf %add3A_66, %dot_general3A_97 : vector<1000x128xf32>
    %get3A_99 = arith.constant 0 : index
    %get3A_100 = arith.constant 0 : index
    %get3A_101 = vector.load %arg6[%get3A_99, %get3A_100] : memref<128x64xf32, #tpu.memory_space<vmem>>, vector<128x64xf32>
    %dot_general3A_102 = arith.constant dense<0.000000e+00> : vector<1000x64xf32>
    %dot_general3A_103 = tpu.matmul %add3A_98, %get3A_101, %dot_general3A_102 {dimension_numbers = #tpu.dot_dimension_numbers<[1], [0], [0], [1], [0, 0, 1, 1], [], []>, transpose_lhs_hint = false} : vector<1000x128xf32>, vector<128x64xf32>, vector<1000x64xf32> -> vector<1000x64xf32>
    %get3A_104 = arith.constant 0 : index
    %get3A_105 = arith.constant 0 : index
    %get3A_106 = vector.load %arg7[%get3A_104, %get3A_105] : memref<1x64xf32, #tpu.memory_space<vmem>>, vector<1x64xf32>
    %add3A_107 = vector.broadcast %get3A_106 : vector<1x64xf32> to vector<1000x64xf32>
    %add3A_108 = arith.addf %dot_general3A_103, %add3A_107 : vector<1000x64xf32>
    %swap3A = arith.constant 0 : index
    %swap3A_109 = arith.constant 0 : index
    %swap3A_110 = vector.load %arg8[%swap3A, %swap3A_109] : memref<1000x64xf32, #tpu.memory_space<vmem>>, vector<1000x64xf32>
    tpu.vector_store %arg8[%swap3A, %swap3A_109], %add3A_108 {strides = array<i32>} : memref<1000x64xf32, #tpu.memory_space<vmem>>, vector<1000x64xf32>,
    return
  }
  func.func @transform_0(%arg0: i32) -> i32 {
    %c0_i32 = arith.constant 0 : i32
    %c0_i32_0 = arith.constant 0 : i32
    return %c0_i32 : i32
  }
  func.func @transform_1(%arg0: i32) -> (i32, i32) {
    %c0_i32 = arith.constant 0 : i32
    %c0_i32_0 = arith.constant 0 : i32
    return %arg0, %c0_i32 : i32, i32
  }
  func.func @transform_2(%arg0: i32) -> (i32, i32, i32, i32) {
    %c0_i32 = arith.constant 0 : i32
    %c0_i32_0 = arith.constant 0 : i32
    %c0_i32_1 = arith.constant 0 : i32
    %c0_i32_2 = arith.constant 0 : i32
    return %c0_i32, %c0_i32_0, %arg0, %c0_i32_1 : i32, i32, i32, i32
  }
  func.func @transform_3(%arg0: i32) -> (i32, i32, i32) {
    %c0_i32 = arith.constant 0 : i32
    %c0_i32_0 = arith.constant 0 : i32
    %c0_i32_1 = arith.constant 0 : i32
    %c0_i32_2 = arith.constant 0 : i32
    return %c0_i32, %c0_i32_0, %c0_i32_1 : i32, i32, i32
  }
  func.func @transform_4(%arg0: i32) -> (i32, i32, i32) {
    %c0_i32 = arith.constant 0 : i32
    %c0_i32_0 = arith.constant 0 : i32
    %c0_i32_1 = arith.constant 0 : i32
    %c0_i32_2 = arith.constant 0 : i32
    return %c0_i32, %c0_i32_0, %c0_i32_1 : i32, i32, i32
  }
  func.func @transform_5(%arg0: i32) -> (i32, i32) {
    %c0_i32 = arith.constant 0 : i32
    %c0_i32_0 = arith.constant 0 : i32
    %c0_i32_1 = arith.constant 0 : i32
    return %c0_i32, %c0_i32_0 : i32, i32
  }
  func.func @transform_6(%arg0: i32) -> (i32, i32) {
    %c0_i32 = arith.constant 0 : i32
    %c0_i32_0 = arith.constant 0 : i32
    %c0_i32_1 = arith.constant 0 : i32
    return %c0_i32, %c0_i32_0 : i32, i32
  }
  func.func @transform_7(%arg0: i32) -> (i32, i32) {
    %c0_i32 = arith.constant 0 : i32
    %c0_i32_0 = arith.constant 0 : i32
    return %arg0, %c0_i32 : i32, i32
  }
}

</mosaic_0001>

<sc_bundles>
// kernel: kernel.10.cloned.1.call-start
scs
__scs_entry_jumppad:
0x0: {  	(pc) =	sbr.rel $0x88, $3  }
0x1: {  	(tag) =	ssettag $0x0;
	lr =	simm.s32 $0x1  }
0x2: {  	[smem:$0x3F94] =	sst lr;
	_ =	strace $0xD0000000  }
0x3: {  	_ = 	snop  }
0x4: {  	_ = 	snop  }
0x5: {  	_ = 	snop  }
0x6: {  	_ = 	snop  }
0x7: {  	_ = 	snop  }
__scs_overlays_trampoline_lowered:
0x8: {  	[smem:$0x3FA3] =	sst s0  }
0x9: {  	[smem:$0x3FA4] =	sst s1  }
0xa: {  	[smem:$0x3FA5] =	sst s2  }
0xb: {  	[smem:$0x3FA6] =	sst s3  }
0xc: {  	[smem:$0x3FA7] =	sst s4  }
0xd: {  	[smem:$0x3FA8] =	sst s5  }
0xe: {  	[smem:$0x3FA9] =	sst s6  }
0xf: {  	[smem:$0x3FAA] =	sst s7  }
0x10: {  	[smem:$0x3FAB] =	sst s8  }
0x11: {  	[smem:$0x3FAC] =	sst s9;
	s0 =	simm.s32 @!p0 $0x0  }
0x12: {  	s1 =	sld [smem:$0x3F92];
	s0 =	simm.s32 @p0 $0x1  }
0x13: {  	[smem:$0x3FAD] =	sst s0;
	s0 =	simm.s32 @!p1 $0x0  }
0x14: {  	s2 =	sld [smem:$0x3F91];
	s0 =	simm.s32 @p1 $0x1  }
0x15: {  	[smem:$0x3FAE] =	sst s0;
	s0 =	simm.s32 @!p2 $0x0  }
0x16: {  	s3 =	sld [smem:$0x3FDB];
	s0 =	simm.s32 @p2 $0x1  }
0x17: {  	s4 =	simm.s32 $0x1BF5;
	[smem:$0x3FB0] =	sst s0  }
0x18: {  	s0 =	sld [smem:$0x3F93];
	_ =	swait.ge [sflag:s4], $0x0  }
0x19: {  	s7 =	sld [smem:$0x3F94]  }
0x1a: {  	s8 =	sadd.s32 $0xFFFFE003, lr  }
0x1b: {  	s9 =	sadd.s32 $0xFFFFFEF7, lr;
	s5 =	simm.s32 $0xFFFFFFFF;
	p2 =	slt.u32 s8, $0xFFFFF086  }
0x1c: {  	p1 =	slt.u32 s9, $0xF7A;
	s5 =	simm.s32 @!p2 $0x0  }
0x1d: {  	s5 =	simm.s32 @p1 $0x1;
	p0 =	seq.s32 s7, s2  }
0x1e: {  	s7 =	smul.u32 @!p0 $0xF7A, s2;
	p2 =	seq.s32 @!p0 s5, $0x0  }
0x1f: {  	s9 =	smul.u32 $0xF7A, s1;
	s8 =	simm.s32 @!p0 $0x1BF5;
	p2 =	por !p2, p0  }
0x20: {  	[sflag:s8] =	ssyncset.s32 @!p0 $0xFFFFF086;
	s6 =	sadd.s32 @!p0 s3, s7;
	s7 =	simm.s32 @!p0 $0x108  }
0x21: {  	s3 =	sadd.s32 s3, s9;
	s6 =	sadd.s32 @!p0 $0x88, s6;
	s7 =	simm.s32 @p2 $0x1082  }
0x22: {  	[simem:s7], [sflag:s8] =	dma.local @!p0 [hbm:s6], $0xF7A  }
0x23: {  	s9 =	sor.u32 $0xD0000000, s2;
	s6 =	simm.s32 $0x108;
	_ =	swait.ge @!p0 [sflag:s8], $0x0  }
0x24: {  	s3 =	sadd.s32 $0x88, s3;
	s6 =	simm.s32 @!p1 $0x1082;
	[sflag:s4] =	ssyncset.s32 $0xFFFFF086  }
0x25: {  	[simem:s6], [sflag:s4] =	dma.local [hbm:s3], $0xF7A  }
0x26: {  	[smem:$0x3F94] =	sst s1;
	(tag) =	ssettag s2;
	_ =	strace s9  }
0x27: {  	s1 =	sld [smem:$0x3FA4]  }
0x28: {  	s2 =	sld [smem:$0x3FA5]  }
0x29: {  	s4 =	sld [smem:$0x3FA7]  }
0x2a: {  	p0 =	seq.s32 s5, $0x0;
	s5 =	sld [smem:$0x3FA8]  }
0x2b: {  	s6 =	sld [smem:$0x3FA9]  }
0x2c: {  	s7 =	sld [smem:$0x3FAA]  }
0x2d: {  	s3 =	simm.s32 $0x108;
	s8 =	sld [smem:$0x3FAB]  }
0x2e: {  	s3 =	simm.s32 @!p0 $0x1082;
	s9 =	sld [smem:$0x3FAC]  }
0x2f: {  	lr =	sadd.s32 s0, s3;
	s0 =	sld [smem:$0x3FA3]  }
0x30: {  	s3 =	sld [smem:$0x3FA6]  }
0x31: {  	[smem:$0x3FAF] =	sst s10  }
0x32: {  	s10 =	sld [smem:$0x3FAD];
	_ =	sdelay $0x3  }
0x33: {  	p0 =	seq.s32 s10, $0x1;
	s10 =	sld [smem:$0x3FAF];
	_ =	sdelay $0x3  }
0x34: {  	[smem:$0x3FAF] =	sst s10  }
0x35: {  	s10 =	sld [smem:$0x3FAE];
	_ =	sdelay $0x3  }
0x36: {  	p1 =	seq.s32 s10, $0x1;
	s10 =	sld [smem:$0x3FAF];
	_ =	sdelay $0x3  }
0x37: {  	[smem:$0x3FAF] =	sst s10  }
0x38: {  	s10 =	sld [smem:$0x3FB0]  }
0x39: {  	_ = 	snop;
	(pc) =	sbr.ind lr, $3  }
0x3a: {  	_ = 	snop  }
0x3b: {  	_ = 	snop  }
0x3c: {  	p2 =	seq.s32 s10, $0x1;
	s10 =	sld [smem:$0x3FAF]  }
0x3d: {  	_ =	shalt  }
0x3e: {  	_ =	shalt  }
0x3f: {  	_ =	shalt  }
0x40: {  	_ =	shalt  }
0x41: {  	_ =	shalt  }
0x42: {  	_ =	shalt  }
0x43: {  	_ =	shalt  }
0x44: {  	_ =	shalt  }
0x45: {  	_ =	shalt  }
0x46: {  	_ =	shalt  }
0x47: {  	_ =	shalt  }
0x48: {  	_ =	shalt  }
0x49: {  	_ =	shalt  }
0x4a: {  	_ =	shalt  }
0x4b: {  	_ =	shalt  }
0x4c: {  	_ =	shalt  }
0x4d: {  	_ =	shalt  }
0x4e: {  	_ =	shalt  }
0x4f: {  	_ =	shalt  }
0x50: {  	_ =	shalt  }
0x51: {  	_ =	shalt  }
0x52: {  	_ =	shalt  }
0x53: {  	_ =	shalt  }
0x54: {  	_ =	shalt  }
0x55: {  	_ =	shalt  }
0x56: {  	_ =	shalt  }
0x57: {  	_ =	shalt  }
0x58: {  	_ =	shalt  }
0x59: {  	_ =	shalt  }
0x5a: {  	_ =	shalt  }
0x5b: {  	_ =	shalt  }
0x5c: {  	_ =	shalt  }
0x5d: {  	_ =	shalt  }
0x5e: {  	_ =	shalt  }
0x5f: {  	_ =	shalt  }
0x60: {  	_ =	shalt  }
0x61: {  	_ =	shalt  }
0x62: {  	_ =	shalt  }
0x63: {  	_ =	shalt  }
0x64: {  	_ =	shalt  }
0x65: {  	_ =	shalt  }
0x66: {  	_ =	shalt  }
0x67: {  	_ =	shalt  }
0x68: {  	_ =	shalt  }
0x69: {  	_ =	shalt  }
0x6a: {  	_ =	shalt  }
0x6b: {  	_ =	shalt  }
0x6c: {  	_ =	shalt  }
0x6d: {  	_ =	shalt  }
0x6e: {  	_ =	shalt  }
0x6f: {  	_ =	shalt  }
0x70: {  	_ =	shalt  }
0x71: {  	_ =	shalt  }
0x72: {  	_ =	shalt  }
0x73: {  	_ =	shalt  }
0x74: {  	_ =	shalt  }
0x75: {  	_ =	shalt  }
0x76: {  	_ =	shalt  }
0x77: {  	_ =	shalt  }
0x78: {  	_ =	shalt  }
0x79: {  	_ =	shalt  }
0x7a: {  	_ =	shalt  }
0x7b: {  	_ =	shalt  }
0x7c: {  	_ =	shalt  }
0x7d: {  	_ =	shalt  }
0x7e: {  	_ =	shalt  }
0x7f: {  	_ =	shalt  }
0x80: {  	_ =	shalt  }
0x81: {  	_ =	shalt  }
0x82: {  	_ =	shalt  }
0x83: {  	_ =	shalt  }
0x84: {  	_ =	shalt  }
0x85: {  	_ =	shalt  }
0x86: {  	_ =	shalt  }
0x87: {  	_ =	shalt  }
.Lfunc_end0:
.L_simem_size_0:
called_computation.1_lowered:
.L_overlay_start_0:
0x88: {  	s2 =	sld [smem:$0x3FD9]  }
0x89: {  	s3 =	sld [smem:$0x3FFE];
	_ =	sdelay $0x1  }
0x8a: {  	s1 =	srdreg.scid  }
0x8b: {  	s0 =	sand.u32 $0x1, s1  }
0x8c: {  	s17 =	sshll.u32 s0, $0xA;
	s2 =	sadd.s32 s3, s2  }
0x8d: {  	s2 =	sadd.s32 s2, s17  }
0x8e: {  	[smem:$0x3FBB] =	sst s2  }
0x8f: {  	_ = 	snop  }
0x90: {  	s2 =	sld [smem:$0x3FD0];
	(tm) =	ssettm $0x1  }
0x91: {  	s18 =	sld [smem:$0x3FFB];
	_ =	sdelay $0x3  }
0x92: {  	_ =	strace s18  }
0x93: {  	s3 =	sld [smem:$0x3FFC];
	_ =	sdelay $0x3  }
0x94: {  	_ =	strace s3  }
0x95: {  	s3 =	sld [smem:$0x3FFD];
	_ =	sdelay $0x3  }
0x96: {  	_ =	strace s3  }
0x97: {  	_ =	strace $0x8FFFFFFF  }
0x98: {  	s19 =	sld [smem:$0x3FDB];
	_ =	sdelay $0x1  }
0x99: {  	s4 =	simm.s32 $_scs_section_size  }
0x9a: {  	s5 =	simm.s32 $_size__tile_overlayer_lowered;
	s6 =	simm.s32 $_tile_overlayer_lowered  }
0x9b: {  	s22 =	simm.s32 $0x1BFF;
	s21 =	sshll.u32 s6, $0x1;
	s3 =	sadd.s32 s4, s19  }
0x9c: {  	s7 =	simm.s32 $0x0;
	s20 =	sshll.u32 s5, $0x1;
	s5 =	sadd.s32 s21, s3  }
0x9d: {  	[timem:s7], [sflag:s22] =	dma.local [hbm:s5], s20  }
0x9e: {  	_ =	swait.ge [sflag:s22], s20  }
0x9f: {  	s4 =	ssub.s32 $0x0, s20;
	[sflag:s22] =	ssyncset.done $0x0  }
0xa0: {  	[sflag:s22] =	ssyncadd.s32 s4;
	_ =	sdelay $0x1  }
0xa1: {  	s23 =	simm.s32 $0x1B8B  }
0xa2: {  	_ =	swait.ge [sflag:s23], $0x1  }
0xa3: {  	[sflag:s23] =	ssyncset.done $0x0  }
0xa4: {  	s25 =	simm.s32 $0x1B8E;
	s24 =	sld [smem:$0x3FFE];
	[sflag:s23] =	ssyncadd.s32 $0xFFFFFFFF  }
0xa5: {  	s26 =	simm.s32 $execute0_lowered;
	[smem:$0x3FD2] =	sst s25  }
0xa6: {  	s5 =	sshll.u32 s26, $0x1;
	_ =	strace $0x80000049;
	[dreg:$0x1] =	wrdreg $0xFFFFFFFF  }
0xa7: {  	s28 =	simm.s32 $_size_execute0_lowered;
	s3 =	sadd.s32 s3, s5;
	[dreg:$0x0] =	wrdreg $0x0  }
0xa8: {  	s5 =	sshll.u32 s28, $0x1;
	[dreg:$0x2] =	wrdreg s3  }
0xa9: {  	[dreg:$0x3] =	wrdreg s5  }
0xaa: {  	[dreg:$0x4] =	wrdreg $0xC0  }
0xab: {  	_ =	task [dreg:s7], $0x5FFFF  }
0xac: {  	[dreg:$0x1] =	wrdreg $0xFFFFFFFF  }
0xad: {  	[dreg:$0x0] =	wrdreg $0x60  }
0xae: {  	[dreg:$0x2] =	wrdreg s24  }
0xaf: {  	[dreg:$0x3] =	wrdreg s2  }
0xb0: {  	[dreg:$0x4] =	wrdreg $0x41000  }
0xb1: {  	[dreg:$0x5] =	wrdreg $0x9  }
0xb2: {  	_ =	task.clear_ibuf [dreg:s7], $0x6FFFF;
	_ =	strace $0x90000049  }
0xb3: {  	s29 =	simm.s32 $0x9;
	_ =	strace $0x8000004B  }
0xb4: {  	_ =	swait.ge [sflag:s29], $0x1  }
0xb5: {  	[sflag:s29] =	ssyncadd.s32 $0xFFFFFFFF  }
0xb6: {  	_ =	strace $0x9000004B  }
0xb7: {  	_ =	sfence  }
0xb8: {  	s30 =	sld [smem:$0x0];
	_ =	sdelay $0x2  }
0xb9: {  	s31 =	sshll.u32 s1, $0xD;
	s1 =	sshrl.u32 s1, $0x2  }
0xba: {  	s3 =	sand.u32 $0x4000, s31;
	s1 =	sadd.s32 s1, s30  }
0xbb: {  	s0 =	sor.u32 s3, s0;
	s1 =	sshll.u32 s1, $0x11  }
0xbc: {  	s0 =	sor.u32 s1, s0  }
0xbd: {  	s0 =	sadd.s32 $0x8F2B, s0  }
0xbe: {  	[sflag:s0] =	ssyncadd.remote.s32 $0x1  }
0xbf: {  	_ =	sfence.sel $0xFFFF  }
0xc0: {  	[dreg:$0x0] =	wrdreg $0xFFFFFFFF;
	(pc) =	sbr.abs _section_cstart, $3  }
0xc1: {  	[dreg:$0x1] =	wrdreg $0xFFFFFFFF  }
0xc2: {  	_ =	task.clear_ibuf [dreg:s7], $0x2FFFF;
	_ =	strace $0x9FFFFFFF  }
0xc3: {  	(tm) =	ssettm $0x7FFFFFFF  }
tec
execute0_lowered:
.L_overlay_start_1:
0x0: {  	(tag) =	ssettag $0x1  }
0x1: {  	s0 =	rddreg [dreg:$0x0]  }
0x2: {  	s1 =	rddreg [dreg:$0x1]  }
0x3: {  	s2 =	rddreg [dreg:$0x2]  }
0x4: {  	s3 =	simm.s32 $0x0;
	s13 =	stileid.u32;
	s5 =	srdreg.scid  }
0x5: {  	s28 =	simm.s32 $0x0;
	[smem:$0x7FF] =	sst s3;
	s8 =	smul.u32 $0x9E0, s13  }
0x6: {  	s4 =	sadd.s32 $0x34E00, s0;
	s10 =	sand.u32 $0x1, s5;
	s6 =	smul.u32 $0x4E000, s13  }
0x7: {  	s11 =	sadd.s32 $0x5C000, s0;
	s9 =	smul.u32 $0x13800, s13;
	s25 =	sshll.u32 s13, $0x6  }
0x8: {  	s14 =	sadd.s32 $0x138000, s2;
	p0 =	sne.s32 s13, $0xF;
	_ =	strace $0x8000004A  }
0x9: {  	s5 =	ssub.s32 $0x2, s10;
	s12 =	smul.u32 $0x138800, s10;
	[dreg:$0x4] =	wrdreg s14  }
0xa: {  	s22 =	smul.u32 $0x4F0, s10;
	s10 =	sadd.s32 $0x5BE00, s0;
	s15 =	sadd.s32 s8, s0  }
0xb: {  	s7 =	sshrl.u32 s5, $0x1;
	s23 =	sshrl.u32 s6, $0x2;
	s24 =	sshrl.u32 s9, $0x3  }
0xc: {  	s1 =	sadd.s32 s8, s1;
	s16 =	ssub.s32 s5, s7;
	s5 =	sadd.s32 s23, s2  }
0xd: {  	s6 =	sadd.s32 s4, s24;
	s7 =	sor.u32 $0x1C02, s25;
	s9 =	sadd.s32 s9, s12  }
0xe: {  	s12 =	sshrl.u32 s12, $0x3;
	s31 =	sadd.s32 s22, s15;
	s22 =	sadd.s32 s22, s1  }
0xf: {  	s23 =	simm.s32 $0x2;
	s24 =	simm.s32 $0x80;
	s25 =	simm.s32 $0x100  }
0x10: {  	s9 =	sshrl.u32 s9, $0x3;
	s17 =	sadd.s32 s11, s12;
	s16 =	smax.u32 s16, $0x1  }
0x11: {  	s18 =	sadd.s32 $0xD600, s31;
	s19 =	sadd.s32 $0x21200, s31;
	s20 =	sadd.s32 $0x3800, s31  }
0x12: {  	s21 =	sadd.s32 $0x17400, s31;
	s9 =	sadd.s32 s11, s9;
	s26 =	sadd.s32 $0x27000, s17  }
0x13: {  	s30 =	sadd.s32 $0x75200, s17;
	s15 =	sadd.s32 $0xC3400, s17;
	[dreg:$0x5] =	wrdreg s26  }
0x14: {  	s17 =	sadd.s32 $0x2B000, s31;
	s29 =	sadd.s32 $0x4E200, s9;
	[dreg:$0x7] =	wrdreg s30  }
0x15: {  	s14 =	sadd.s32 $0x9C400, s9;
	s26 =	simm.s32 $0x1;
	[dreg:$0x6] =	wrdreg s29  }
.LBB2_1:
0x16: {  	s29 =	sshrl.u32 s5, $0x3  }
0x17: {  	[spmem:s29], [sflag:s7] =	dma.local [hbm:s6], $0x2700  }
0x18: {  	_ =	swait.ge [sflag:s23], $0x2700  }
0x19: {  	[sflag:s23] =	ssyncset.done $0x0;
	s0 =	rddreg [dreg:$0x4]  }
0x1a: {  	[sflag:s23] =	ssyncadd.s32 $0xFFFFD900;
	s30 =	sshrl.u32 @!p0 s0, $0x3;
	s0 =	simm.s32 @!p0 $0x2  }
0x1b: {  	[spmem:s30], [sflag:s7] =	dma.local @!p0 [hbm:s10], $0x100  }
0x1c: {  	_ =	swait.ge @!p0 [sflag:s0], $0x100  }
0x1d: {  	[sflag:s0] =	ssyncset.done @!p0 $0x0  }
0x1e: {  	[sflag:s0] =	ssyncadd.s32 @!p0 $0xFFFFFF00  }
0x1f: {  	s13 =	sadd.s32 $0x0, s18;
	[bflag:$0x0] =	sbarrier.arrive $0xFFFF  }
0x20: {  	[tilespmem:s3], [sflag:$0x2] =	stream.linear.gather [hbm4b:s13+s3], $0x80, $0x38;
	[tilespmem:$0x17A00] =	vst v63  }
0x21: {  	_ =	swait.ge [sflag:s23], $0x80  }
0x22: {  	[sflag:s23] =	ssyncset.done $0x0  }
0x23: {  	s31 =	sadd.s32 $0x0, s17;
	[sflag:s23] =	ssyncadd.s32 $0xFFFFFF80  }
0x24: {  	[tilespmem:s24], [sflag:$0x2] =	stream.linear.gather [hbm4b:s31+s3], $0x80, $0x38;
	[tilespmem:$0x17A00] =	vst v63  }
0x25: {  	_ =	swait.ge [sflag:s23], $0x80  }
0x26: {  	[sflag:s23] =	ssyncset.done $0x0  }
0x27: {  	[sflag:s23] =	ssyncadd.s32 $0xFFFFFF80  }
0x28: {  	[tilespmem:s25], [sflag:$0x1] =	stream.indirect.gather [hbm4b:s4+s24], $0x80, s3, s24, $0xb8;
	[tilespmem:$0x17A00] =	vst v63  }
0x29: {  	_ =	swait.ge [sflag:s26], $0x4000  }
0x2a: {  	[sflag:s26] =	ssyncset.done $0x0  }
0x2b: {  	[sflag:s26] =	ssyncadd.s32 $0xFFFFC000  }
0x2c: {  	[spmem:s2] =	stream.indirect.scatter.add.f32 [tilespmem:s25], [sflag:$0x2], $0x80, s24, s24, $0xb8;
	[tilespmem:$0x17A00] =	vst v63  }
0x2d: {  	_ =	swait.ge [sflag:s23], $0x4000  }
0x2e: {  	s1 =	simm.s32 $0x20;
	s0 =	simm.s32 $0x10;
	[sflag:s23] =	ssyncset.done $0x0  }
.LBB2_2:
0x2f: {  	s8 =	sadd.s32 s0, s18  }
0x30: {  	[sflag:s23] =	ssyncadd.s32 $0xFFFFC000;
	s31 =	smov.u32 s1;
	s11 =	sadd.s32 $0x10, s1  }
0x31: {  	[tilespmem:s3], [sflag:$0x2] =	stream.linear.gather [hbm4b:s8+s3], $0x80, $0x38;
	[tilespmem:$0x17A00] =	vst v63  }
0x32: {  	p1 =	sne.s32 s1, $0x4E0;
	_ =	swait.ge [sflag:s23], $0x80  }
0x33: {  	[sflag:s23] =	ssyncset.done $0x0  }
0x34: {  	s1 =	sadd.s32 s0, s17;
	s0 =	smov.u32 s31;
	[sflag:s23] =	ssyncadd.s32 $0xFFFFFF80  }
0x35: {  	[tilespmem:s24], [sflag:$0x2] =	stream.linear.gather [hbm4b:s1+s3], $0x80, $0x38;
	[tilespmem:$0x17A00] =	vst v63  }
0x36: {  	_ =	swait.ge [sflag:s23], $0x80  }
0x37: {  	[sflag:s23] =	ssyncset.done $0x0  }
0x38: {  	[sflag:s23] =	ssyncadd.s32 $0xFFFFFF80  }
0x39: {  	[tilespmem:s25], [sflag:$0x1] =	stream.indirect.gather [hbm4b:s4+s24], $0x80, s3, s24, $0xb8;
	[tilespmem:$0x17A00] =	vst v63  }
0x3a: {  	_ =	swait.ge [sflag:s26], $0x4000  }
.Ltmp0:
0x3b: {  	[sflag:s26] =	ssyncset.done $0x0;
	(pc) =	sbr.rel @p1 .LBB2_2-.Ltmp0, $4  }
0x3c: {  	[sflag:s26] =	ssyncadd.s32 $0xFFFFC000  }
0x3d: {  	[spmem:s2] =	stream.indirect.scatter.add.f32 [tilespmem:s25], [sflag:$0x2], $0x80, s24, s24, $0xb8;
	[tilespmem:$0x17A00] =	vst v63  }
0x3e: {  	_ =	swait.ge [sflag:s23], $0x4000  }
0x3f: {  	s1 =	smov.u32 s11;
	[sflag:s23] =	ssyncset.done $0x0  }
0x40: {  	s1 =	sadd.s32 s0, s18;
	[sflag:s23] =	ssyncadd.s32 $0xFFFFC000  }
0x41: {  	[tilespmem:s3], [sflag:$0x2] =	stream.linear.gather [hbm4b:s1+s3], $0x80, $0x38;
	[tilespmem:$0x17A00] =	vst v63  }
0x42: {  	_ =	swait.ge [sflag:s23], $0x80  }
0x43: {  	[sflag:s23] =	ssyncset.done $0x0  }
0x44: {  	s11 =	sadd.s32 s0, s17;
	[sflag:s23] =	ssyncadd.s32 $0xFFFFFF80  }
0x45: {  	[tilespmem:s24], [sflag:$0x2] =	stream.linear.gather [hbm4b:s11+s3], $0x80, $0x38;
	[tilespmem:$0x17A00] =	vst v63  }
0x46: {  	_ =	swait.ge [sflag:s23], $0x80  }
0x47: {  	[sflag:s23] =	ssyncset.done $0x0  }
0x48: {  	[sflag:s23] =	ssyncadd.s32 $0xFFFFFF80  }
0x49: {  	[tilespmem:s25], [sflag:$0x1] =	stream.indirect.gather [hbm4b:s4+s24], $0x80, s3, s24, $0xb8;
	[tilespmem:$0x17A00] =	vst v63  }
0x4a: {  	_ =	swait.ge [sflag:s26], $0x4000  }
0x4b: {  	[sflag:s26] =	ssyncset.done $0x0  }
0x4c: {  	[sflag:s26] =	ssyncadd.s32 $0xFFFFC000  }
0x4d: {  	[spmem:s2] =	stream.indirect.scatter.add.f32 [tilespmem:s25], [sflag:$0x2], $0x80, s24, s24, $0xb8;
	[tilespmem:$0x17A00] =	vst v63  }
0x4e: {  	_ =	swait.ge [sflag:s23], $0x4000  }
0x4f: {  	[sflag:s23] =	ssyncset.done $0x0  }
0x50: {  	[sflag:s23] =	ssyncadd.s32 $0xFFFFC000  }
0x51: {  	[bflag:$0x0] =	sbarrier.arrive $0xFFFF  }
0x52: {  	[hbm:s9], [sflag:s7] =	dma.local [spmem:s29], $0x2700  }
0x53: {  	_ =	swait.ge [sflag:s23], $0x2700  }
0x54: {  	[sflag:s23] =	ssyncset.done $0x0  }
0x55: {  	[sflag:s23] =	ssyncadd.s32 $0xFFFFD900  }
0x56: {  	s31 =	sshrl.u32 @p0 s5, $0x3;
	s0 =	simm.s32 @p0 $0x2;
	[bflag:$0x0] =	sbarrier.arrive @p0 $0xFFFF  }
0x57: {  	[spmem:s31], [sflag:s7] =	dma.local @p0 [hbm:s6], $0x2700  }
0x58: {  	_ =	swait.ge @p0 [sflag:s0], $0x2700  }
0x59: {  	[sflag:s0] =	ssyncset.done @p0 $0x0  }
0x5a: {  	s1 =	simm.s32 @!p0 $0x2;
	[sflag:s0] =	ssyncadd.s32 @p0 $0xFFFFD900;
	s0 =	rddreg [dreg:$0x5]  }
0x5b: {  	[hbm:s0], [sflag:s7] =	dma.local @!p0 [spmem:s30], $0x100  }
0x5c: {  	_ =	swait.ge @!p0 [sflag:s1], $0x100  }
0x5d: {  	[sflag:s1] =	ssyncset.done @!p0 $0x0  }
0x5e: {  	[sflag:s1] =	ssyncadd.s32 @!p0 $0xFFFFFF00  }
0x5f: {  	s0 =	sshrl.u32 @!p0 s5, $0x3;
	[bflag:$0x0] =	sbarrier.arrive @!p0 $0xFFFF  }
0x60: {  	[spmem:s0], [sflag:s7] =	dma.local @!p0 [hbm:s6], $0x2700  }
0x61: {  	_ =	swait.ge @!p0 [sflag:s1], $0x2700  }
0x62: {  	[sflag:s1] =	ssyncset.done @!p0 $0x0  }
0x63: {  	[sflag:s1] =	ssyncadd.s32 @!p0 $0xFFFFD900  }
0x64: {  	[spmem:s30], [sflag:s7] =	dma.local @!p0 [hbm:s10], $0x100  }
0x65: {  	_ =	swait.ge @!p0 [sflag:s1], $0x100  }
0x66: {  	[sflag:s1] =	ssyncset.done @!p0 $0x0  }
0x67: {  	[sflag:s1] =	ssyncadd.s32 @!p0 $0xFFFFFF00  }
0x68: {  	s12 =	sadd.s32 $0x0, s20;
	[bflag:$0x0] =	sbarrier.arrive $0xFFFF  }
0x69: {  	[tilespmem:s3], [sflag:$0x2] =	stream.linear.gather [hbm4b:s12+s3], $0x80, $0x38;
	[tilespmem:$0x17A00] =	vst v63  }
0x6a: {  	_ =	swait.ge [sflag:s23], $0x80  }
0x6b: {  	[sflag:s23] =	ssyncset.done $0x0  }
0x6c: {  	s13 =	sadd.s32 $0x0, s19;
	[sflag:s23] =	ssyncadd.s32 $0xFFFFFF80  }
0x6d: {  	[tilespmem:s24], [sflag:$0x2] =	stream.linear.gather [hbm4b:s13+s3], $0x80, $0x38;
	[tilespmem:$0x17A00] =	vst v63  }
0x6e: {  	_ =	swait.ge [sflag:s23], $0x80  }
0x6f: {  	[sflag:s23] =	ssyncset.done $0x0  }
0x70: {  	[sflag:s23] =	ssyncadd.s32 $0xFFFFFF80  }
0x71: {  	[tilespmem:s25], [sflag:$0x1] =	stream.indirect.gather [hbm4b:s4+s24], $0x80, s3, s24, $0xb8;
	[tilespmem:$0x17A00] =	vst v63  }
0x72: {  	_ =	swait.ge [sflag:s26], $0x4000  }
0x73: {  	[sflag:s26] =	ssyncset.done $0x0  }
0x74: {  	[sflag:s26] =	ssyncadd.s32 $0xFFFFC000  }
0x75: {  	[spmem:s2] =	stream.indirect.scatter.add.f32 [tilespmem:s25], [sflag:$0x2], $0x80, s24, s24, $0xb8;
	[tilespmem:$0x17A00] =	vst v63  }
0x76: {  	_ =	swait.ge [sflag:s23], $0x4000  }
0x77: {  	s8 =	simm.s32 $0x20;
	s1 =	simm.s32 $0x10;
	[sflag:s23] =	ssyncset.done $0x0  }
.LBB2_4:
0x78: {  	s11 =	sadd.s32 s1, s20  }
0x79: {  	[sflag:s23] =	ssyncadd.s32 $0xFFFFC000;
	s12 =	smov.u32 s8;
	s13 =	sadd.s32 $0x10, s8  }
0x7a: {  	[tilespmem:s3], [sflag:$0x2] =	stream.linear.gather [hbm4b:s11+s3], $0x80, $0x38;
	[tilespmem:$0x17A00] =	vst v63  }
0x7b: {  	p1 =	sne.s32 s8, $0x4E0;
	_ =	swait.ge [sflag:s23], $0x80  }
0x7c: {  	[sflag:s23] =	ssyncset.done $0x0  }
0x7d: {  	s8 =	sadd.s32 s1, s19;
	s1 =	smov.u32 s12;
	[sflag:s23] =	ssyncadd.s32 $0xFFFFFF80  }
0x7e: {  	[tilespmem:s24], [sflag:$0x2] =	stream.linear.gather [hbm4b:s8+s3], $0x80, $0x38;
	[tilespmem:$0x17A00] =	vst v63  }
0x7f: {  	_ =	swait.ge [sflag:s23], $0x80  }
0x80: {  	[sflag:s23] =	ssyncset.done $0x0  }
0x81: {  	[sflag:s23] =	ssyncadd.s32 $0xFFFFFF80  }
0x82: {  	[tilespmem:s25], [sflag:$0x1] =	stream.indirect.gather [hbm4b:s4+s24], $0x80, s3, s24, $0xb8;
	[tilespmem:$0x17A00] =	vst v63  }
0x83: {  	_ =	swait.ge [sflag:s26], $0x4000  }
.Ltmp1:
0x84: {  	[sflag:s26] =	ssyncset.done $0x0;
	(pc) =	sbr.rel @p1 .LBB2_4-.Ltmp1, $4  }
0x85: {  	[sflag:s26] =	ssyncadd.s32 $0xFFFFC000  }
0x86: {  	[spmem:s2] =	stream.indirect.scatter.add.f32 [tilespmem:s25], [sflag:$0x2], $0x80, s24, s24, $0xb8;
	[tilespmem:$0x17A00] =	vst v63  }
0x87: {  	_ =	swait.ge [sflag:s23], $0x4000  }
0x88: {  	s8 =	smov.u32 s13;
	[sflag:s23] =	ssyncset.done $0x0  }
0x89: {  	s8 =	sadd.s32 s1, s20;
	[sflag:s23] =	ssyncadd.s32 $0xFFFFC000  }
0x8a: {  	[tilespmem:s3], [sflag:$0x2] =	stream.linear.gather [hbm4b:s8+s3], $0x80, $0x38;
	[tilespmem:$0x17A00] =	vst v63  }
0x8b: {  	_ =	swait.ge [sflag:s23], $0x80  }
0x8c: {  	[sflag:s23] =	ssyncset.done $0x0  }
0x8d: {  	s11 =	sadd.s32 s1, s19;
	[sflag:s23] =	ssyncadd.s32 $0xFFFFFF80  }
0x8e: {  	[tilespmem:s24], [sflag:$0x2] =	stream.linear.gather [hbm4b:s11+s3], $0x80, $0x38;
	[tilespmem:$0x17A00] =	vst v63  }
0x8f: {  	_ =	swait.ge [sflag:s23], $0x80  }
0x90: {  	[sflag:s23] =	ssyncset.done $0x0  }
0x91: {  	[sflag:s23] =	ssyncadd.s32 $0xFFFFFF80  }
0x92: {  	[tilespmem:s25], [sflag:$0x1] =	stream.indirect.gather [hbm4b:s4+s24], $0x80, s3, s24, $0xb8;
	[tilespmem:$0x17A00] =	vst v63  }
0x93: {  	_ =	swait.ge [sflag:s26], $0x4000  }
0x94: {  	[sflag:s26] =	ssyncset.done $0x0  }
0x95: {  	[sflag:s26] =	ssyncadd.s32 $0xFFFFC000  }
0x96: {  	[spmem:s2] =	stream.indirect.scatter.add.f32 [tilespmem:s25], [sflag:$0x2], $0x80, s24, s24, $0xb8;
	[tilespmem:$0x17A00] =	vst v63  }
0x97: {  	_ =	swait.ge [sflag:s23], $0x4000  }
0x98: {  	[sflag:s23] =	ssyncset.done $0x0  }
0x99: {  	[sflag:s23] =	ssyncadd.s32 $0xFFFFC000  }
0x9a: {  	[bflag:$0x0] =	sbarrier.arrive $0xFFFF  }
0x9b: {  	s12 =	rddreg [dreg:$0x6]  }
0x9c: {  	[hbm:s12], [sflag:s7] =	dma.local [spmem:s29], $0x2700  }
0x9d: {  	_ =	swait.ge [sflag:s23], $0x2700  }
0x9e: {  	[sflag:s23] =	ssyncset.done $0x0  }
0x9f: {  	[sflag:s23] =	ssyncadd.s32 $0xFFFFD900  }
0xa0: {  	s1 =	simm.s32 @p0 $0x2;
	[bflag:$0x0] =	sbarrier.arrive @p0 $0xFFFF  }
0xa1: {  	[spmem:s31], [sflag:s7] =	dma.local @p0 [hbm:s6], $0x2700  }
0xa2: {  	_ =	swait.ge @p0 [sflag:s1], $0x2700  }
0xa3: {  	[sflag:s1] =	ssyncset.done @p0 $0x0  }
0xa4: {  	[sflag:s1] =	ssyncadd.s32 @p0 $0xFFFFD900;
	s1 =	rddreg [dreg:$0x7]  }
0xa5: {  	[hbm:s1], [sflag:s7] =	dma.local @!p0 [spmem:s30], $0x100  }
0xa6: {  	s1 =	simm.s32 @!p0 $0x2  }
0xa7: {  	_ =	swait.ge @!p0 [sflag:s1], $0x100  }
0xa8: {  	[sflag:s1] =	ssyncset.done @!p0 $0x0  }
0xa9: {  	[sflag:s1] =	ssyncadd.s32 @!p0 $0xFFFFFF00  }
0xaa: {  	[bflag:$0x0] =	sbarrier.arrive @!p0 $0xFFFF  }
0xab: {  	[spmem:s0], [sflag:s7] =	dma.local @!p0 [hbm:s6], $0x2700  }
0xac: {  	_ =	swait.ge @!p0 [sflag:s1], $0x2700  }
0xad: {  	[sflag:s1] =	ssyncset.done @!p0 $0x0  }
0xae: {  	[sflag:s1] =	ssyncadd.s32 @!p0 $0xFFFFD900  }
0xaf: {  	[spmem:s30], [sflag:s7] =	dma.local @!p0 [hbm:s10], $0x100  }
0xb0: {  	_ =	swait.ge @!p0 [sflag:s1], $0x100  }
0xb1: {  	[sflag:s1] =	ssyncset.done @!p0 $0x0  }
0xb2: {  	[sflag:s1] =	ssyncadd.s32 @!p0 $0xFFFFFF00  }
0xb3: {  	s13 =	sadd.s32 $0x0, s22;
	[bflag:$0x0] =	sbarrier.arrive $0xFFFF  }
0xb4: {  	[tilespmem:s3], [sflag:$0x2] =	stream.linear.gather [hbm4b:s13+s3], $0x80, $0x38;
	[tilespmem:$0x17A00] =	vst v63  }
0xb5: {  	_ =	swait.ge [sflag:s23], $0x80  }
0xb6: {  	[sflag:s23] =	ssyncset.done $0x0  }
0xb7: {  	s31 =	sadd.s32 $0x0, s21;
	[sflag:s23] =	ssyncadd.s32 $0xFFFFFF80  }
0xb8: {  	[tilespmem:s24], [sflag:$0x2] =	stream.linear.gather [hbm4b:s31+s3], $0x80, $0x38;
	[tilespmem:$0x17A00] =	vst v63  }
0xb9: {  	_ =	swait.ge [sflag:s23], $0x80  }
0xba: {  	[sflag:s23] =	ssyncset.done $0x0  }
0xbb: {  	[sflag:s23] =	ssyncadd.s32 $0xFFFFFF80  }
0xbc: {  	[tilespmem:s25], [sflag:$0x1] =	stream.indirect.gather [hbm4b:s4+s24], $0x80, s3, s24, $0xb8;
	[tilespmem:$0x17A00] =	vst v63  }
0xbd: {  	_ =	swait.ge [sflag:s26], $0x4000  }
0xbe: {  	[sflag:s26] =	ssyncset.done $0x0  }
0xbf: {  	[sflag:s26] =	ssyncadd.s32 $0xFFFFC000  }
0xc0: {  	[spmem:s2] =	stream.indirect.scatter.add.f32 [tilespmem:s25], [sflag:$0x2], $0x80, s24, s24, $0xb8;
	[tilespmem:$0x17A00] =	vst v63  }
0xc1: {  	_ =	swait.ge [sflag:s23], $0x4000  }
0xc2: {  	s0 =	simm.s32 $0x10;
	s1 =	simm.s32 $0x20;
	[sflag:s23] =	ssyncset.done $0x0  }
.LBB2_6:
0xc3: {  	s8 =	sadd.s32 s0, s22  }
0xc4: {  	[sflag:s23] =	ssyncadd.s32 $0xFFFFC000;
	s11 =	smov.u32 s1;
	s12 =	sadd.s32 $0x10, s1  }
0xc5: {  	[tilespmem:s3], [sflag:$0x2] =	stream.linear.gather [hbm4b:s8+s3], $0x80, $0x38;
	[tilespmem:$0x17A00] =	vst v63  }
0xc6: {  	p1 =	sne.s32 s1, $0x4E0;
	_ =	swait.ge [sflag:s23], $0x80  }
0xc7: {  	[sflag:s23] =	ssyncset.done $0x0  }
0xc8: {  	s1 =	sadd.s32 s0, s21;
	s0 =	smov.u32 s11;
	[sflag:s23] =	ssyncadd.s32 $0xFFFFFF80  }
0xc9: {  	[tilespmem:s24], [sflag:$0x2] =	stream.linear.gather [hbm4b:s1+s3], $0x80, $0x38;
	[tilespmem:$0x17A00] =	vst v63  }
0xca: {  	_ =	swait.ge [sflag:s23], $0x80  }
0xcb: {  	[sflag:s23] =	ssyncset.done $0x0  }
0xcc: {  	[sflag:s23] =	ssyncadd.s32 $0xFFFFFF80  }
0xcd: {  	[tilespmem:s25], [sflag:$0x1] =	stream.indirect.gather [hbm4b:s4+s24], $0x80, s3, s24, $0xb8;
	[tilespmem:$0x17A00] =	vst v63  }
0xce: {  	_ =	swait.ge [sflag:s26], $0x4000  }
.Ltmp2:
0xcf: {  	[sflag:s26] =	ssyncset.done $0x0;
	(pc) =	sbr.rel @p1 .LBB2_6-.Ltmp2, $4  }
0xd0: {  	[sflag:s26] =	ssyncadd.s32 $0xFFFFC000  }
0xd1: {  	[spmem:s2] =	stream.indirect.scatter.add.f32 [tilespmem:s25], [sflag:$0x2], $0x80, s24, s24, $0xb8;
	[tilespmem:$0x17A00] =	vst v63  }
0xd2: {  	_ =	swait.ge [sflag:s23], $0x4000  }
0xd3: {  	s1 =	smov.u32 s12;
	[sflag:s23] =	ssyncset.done $0x0  }
0xd4: {  	s1 =	sadd.s32 s0, s22;
	[sflag:s23] =	ssyncadd.s32 $0xFFFFC000  }
0xd5: {  	[tilespmem:s3], [sflag:$0x2] =	stream.linear.gather [hbm4b:s1+s3], $0x80, $0x38;
	[tilespmem:$0x17A00] =	vst v63  }
0xd6: {  	_ =	swait.ge [sflag:s23], $0x80  }
0xd7: {  	[sflag:s23] =	ssyncset.done $0x0  }
0xd8: {  	s31 =	sadd.s32 s0, s21;
	[sflag:s23] =	ssyncadd.s32 $0xFFFFFF80  }
0xd9: {  	[tilespmem:s24], [sflag:$0x2] =	stream.linear.gather [hbm4b:s31+s3], $0x80, $0x38;
	[tilespmem:$0x17A00] =	vst v63  }
0xda: {  	_ =	swait.ge [sflag:s23], $0x80  }
0xdb: {  	[sflag:s23] =	ssyncset.done $0x0  }
0xdc: {  	[sflag:s23] =	ssyncadd.s32 $0xFFFFFF80  }
0xdd: {  	[tilespmem:s25], [sflag:$0x1] =	stream.indirect.gather [hbm4b:s4+s24], $0x80, s3, s24, $0xb8;
	[tilespmem:$0x17A00] =	vst v63  }
0xde: {  	_ =	swait.ge [sflag:s26], $0x4000  }
0xdf: {  	[sflag:s26] =	ssyncset.done $0x0  }
0xe0: {  	[sflag:s26] =	ssyncadd.s32 $0xFFFFC000  }
0xe1: {  	[spmem:s2] =	stream.indirect.scatter.add.f32 [tilespmem:s25], [sflag:$0x2], $0x80, s24, s24, $0xb8;
	[tilespmem:$0x17A00] =	vst v63  }
0xe2: {  	_ =	swait.ge [sflag:s23], $0x4000  }
0xe3: {  	[sflag:s23] =	ssyncset.done $0x0  }
0xe4: {  	[sflag:s23] =	ssyncadd.s32 $0xFFFFC000  }
0xe5: {  	[bflag:$0x0] =	sbarrier.arrive $0xFFFF  }
0xe6: {  	[hbm:s14], [sflag:s7] =	dma.local [spmem:s29], $0x2700  }
0xe7: {  	_ =	swait.ge [sflag:s23], $0x2700  }
0xe8: {  	s28 =	sadd.s32 $0x1, s28;
	[sflag:s23] =	ssyncset.done $0x0  }
0xe9: {  	s0 =	simm.s32 @!p0 $0x2;
	p1 =	sne.s32 s28, s16;
	[sflag:s23] =	ssyncadd.s32 $0xFFFFD900  }
0xea: {  	[hbm:s15], [sflag:s7] =	dma.local @!p0 [spmem:s30], $0x100  }
.Ltmp3:
0xeb: {  	_ =	swait.ge @!p0 [sflag:s0], $0x100;
	(pc) =	sbr.rel @p1 .LBB2_1-.Ltmp3, $3  }
0xec: {  	[sflag:s0] =	ssyncset.done @!p0 $0x0  }
0xed: {  	[sflag:s0] =	ssyncadd.s32 @!p0 $0xFFFFFF00  }
0xee: {  	[bflag:$0x0] =	sbarrier.arrive $0xFFFF;
	_ =	sdelay $0x1  }
0xef: {  	_ =	sfence.sel $0x180000  }
0xf0: {  	[bflag:$0x0] =	sbarrier.arrive $0xFFFF  }
0xf1: {  	_ =	strace $0x9000004A  }
0xf2: {  	s0 =	stileid.u32;
	[bflag:$0x2] =	sbarrier.arrive $0xFFFF  }
0xf3: {  	p0 =	sne.s32 s0, $0x0;
	s0 =	rddreg [dreg:$0x3]  }
0xf4: {  	s0 =	sadd.s32 @!p0 $0x100000, s0  }
0xf5: {  	[sflag:s0] =	ssyncadd.tile.s32 @!p0 $0x1;
	_ =	shalt  }
.Lfunc_end2:
_tile_overlayer_lowered:
.L_overlay_start_2:
0xf6: {  	(tag) =	ssettag $0x2  }
0xf7: {  	s0 =	rddreg [dreg:$0x0];
	s2 =	stileid.u32  }
0xf8: {  	s1 =	rddreg [dreg:$0x1];
	p0 =	sne.s32 s2, $0x0  }
0xf9: {  	s3 =	rddreg [dreg:$0x2];
	[bflag:$0x3] =	sbarrier.arrive $0xFFFF;
	s2 =	simm.s32 @!p0 $0x1C02  }
0xfa: {  	[timem:s3], [sflag:s2] =	dma.local @!p0 [hbm:s0], s1  }
0xfb: {  	s0 =	simm.s32 @!p0 $0x2  }
0xfc: {  	_ =	swait.ge @!p0 [sflag:s0], s1  }
0xfd: {  	s1 =	ssub.s32 @!p0 $0x0, s1;
	[sflag:s0] =	ssyncset.done @!p0 $0x0  }
0xfe: {  	[sflag:s0] =	ssyncadd.s32 @!p0 s1  }
0xff: {  	[bflag:$0x3] =	sbarrier.arrive $0xFFFF  }
0x100: {  	_ =	shalt  }

// kernel: kernel.7.cloned.1.call-start
scs
__scs_entry_jumppad:
0x0: {  	(pc) =	sbr.rel $0x88, $3  }
0x1: {  	(tag) =	ssettag $0x0;
	lr =	simm.s32 $0x1  }
0x2: {  	[smem:$0x3F94] =	sst lr;
	_ =	strace $0xD0000000  }
0x3: {  	_ = 	snop  }
0x4: {  	_ = 	snop  }
0x5: {  	_ = 	snop  }
0x6: {  	_ = 	snop  }
0x7: {  	_ = 	snop  }
__scs_overlays_trampoline_lowered:
0x8: {  	[smem:$0x3FA3] =	sst s0  }
0x9: {  	[smem:$0x3FA4] =	sst s1  }
0xa: {  	[smem:$0x3FA5] =	sst s2  }
0xb: {  	[smem:$0x3FA6] =	sst s3  }
0xc: {  	[smem:$0x3FA7] =	sst s4  }
0xd: {  	[smem:$0x3FA8] =	sst s5  }
0xe: {  	[smem:$0x3FA9] =	sst s6  }
0xf: {  	[smem:$0x3FAA] =	sst s7  }
0x10: {  	[smem:$0x3FAB] =	sst s8  }
0x11: {  	[smem:$0x3FAC] =	sst s9;
	s0 =	simm.s32 @!p0 $0x0  }
0x12: {  	s1 =	sld [smem:$0x3F92];
	s0 =	simm.s32 @p0 $0x1  }
0x13: {  	[smem:$0x3FAD] =	sst s0;
	s0 =	simm.s32 @!p1 $0x0  }
0x14: {  	s2 =	sld [smem:$0x3F91];
	s0 =	simm.s32 @p1 $0x1  }
0x15: {  	[smem:$0x3FAE] =	sst s0;
	s0 =	simm.s32 @!p2 $0x0  }
0x16: {  	s3 =	sld [smem:$0x3FDB];
	s0 =	simm.s32 @p2 $0x1  }
0x17: {  	s4 =	simm.s32 $0x1BF5;
	[smem:$0x3FB0] =	sst s0  }
0x18: {  	s0 =	sld [smem:$0x3F93];
	_ =	swait.ge [sflag:s4], $0x0  }
0x19: {  	s7 =	sld [smem:$0x3F94]  }
0x1a: {  	s8 =	sadd.s32 $0xFFFFE003, lr  }
0x1b: {  	s9 =	sadd.s32 $0xFFFFFEF7, lr;
	s5 =	simm.s32 $0xFFFFFFFF;
	p2 =	slt.u32 s8, $0xFFFFF086  }
0x1c: {  	p1 =	slt.u32 s9, $0xF7A;
	s5 =	simm.s32 @!p2 $0x0  }
0x1d: {  	s5 =	simm.s32 @p1 $0x1;
	p0 =	seq.s32 s7, s2  }
0x1e: {  	s7 =	smul.u32 @!p0 $0xF7A, s2;
	p2 =	seq.s32 @!p0 s5, $0x0  }
0x1f: {  	s9 =	smul.u32 $0xF7A, s1;
	s8 =	simm.s32 @!p0 $0x1BF5;
	p2 =	por !p2, p0  }
0x20: {  	[sflag:s8] =	ssyncset.s32 @!p0 $0xFFFFF086;
	s6 =	sadd.s32 @!p0 s3, s7;
	s7 =	simm.s32 @!p0 $0x108  }
0x21: {  	s3 =	sadd.s32 s3, s9;
	s6 =	sadd.s32 @!p0 $0x88, s6;
	s7 =	simm.s32 @p2 $0x1082  }
0x22: {  	[simem:s7], [sflag:s8] =	dma.local @!p0 [hbm:s6], $0xF7A  }
0x23: {  	s9 =	sor.u32 $0xD0000000, s2;
	s6 =	simm.s32 $0x108;
	_ =	swait.ge @!p0 [sflag:s8], $0x0  }
0x24: {  	s3 =	sadd.s32 $0x88, s3;
	s6 =	simm.s32 @!p1 $0x1082;
	[sflag:s4] =	ssyncset.s32 $0xFFFFF086  }
0x25: {  	[simem:s6], [sflag:s4] =	dma.local [hbm:s3], $0xF7A  }
0x26: {  	[smem:$0x3F94] =	sst s1;
	(tag) =	ssettag s2;
	_ =	strace s9  }
0x27: {  	s1 =	sld [smem:$0x3FA4]  }
0x28: {  	s2 =	sld [smem:$0x3FA5]  }
0x29: {  	s4 =	sld [smem:$0x3FA7]  }
0x2a: {  	p0 =	seq.s32 s5, $0x0;
	s5 =	sld [smem:$0x3FA8]  }
0x2b: {  	s6 =	sld [smem:$0x3FA9]  }
0x2c: {  	s7 =	sld [smem:$0x3FAA]  }
0x2d: {  	s3 =	simm.s32 $0x108;
	s8 =	sld [smem:$0x3FAB]  }
0x2e: {  	s3 =	simm.s32 @!p0 $0x1082;
	s9 =	sld [smem:$0x3FAC]  }
0x2f: {  	lr =	sadd.s32 s0, s3;
	s0 =	sld [smem:$0x3FA3]  }
0x30: {  	s3 =	sld [smem:$0x3FA6]  }
0x31: {  	[smem:$0x3FAF] =	sst s10  }
0x32: {  	s10 =	sld [smem:$0x3FAD];
	_ =	sdelay $0x3  }
0x33: {  	p0 =	seq.s32 s10, $0x1;
	s10 =	sld [smem:$0x3FAF];
	_ =	sdelay $0x3  }
0x34: {  	[smem:$0x3FAF] =	sst s10  }
0x35: {  	s10 =	sld [smem:$0x3FAE];
	_ =	sdelay $0x3  }
0x36: {  	p1 =	seq.s32 s10, $0x1;
	s10 =	sld [smem:$0x3FAF];
	_ =	sdelay $0x3  }
0x37: {  	[smem:$0x3FAF] =	sst s10  }
0x38: {  	s10 =	sld [smem:$0x3FB0]  }
0x39: {  	_ = 	snop;
	(pc) =	sbr.ind lr, $3  }
0x3a: {  	_ = 	snop  }
0x3b: {  	_ = 	snop  }
0x3c: {  	p2 =	seq.s32 s10, $0x1;
	s10 =	sld [smem:$0x3FAF]  }
0x3d: {  	_ =	shalt  }
0x3e: {  	_ =	shalt  }
0x3f: {  	_ =	shalt  }
0x40: {  	_ =	shalt  }
0x41: {  	_ =	shalt  }
0x42: {  	_ =	shalt  }
0x43: {  	_ =	shalt  }
0x44: {  	_ =	shalt  }
0x45: {  	_ =	shalt  }
0x46: {  	_ =	shalt  }
0x47: {  	_ =	shalt  }
0x48: {  	_ =	shalt  }
0x49: {  	_ =	shalt  }
0x4a: {  	_ =	shalt  }
0x4b: {  	_ =	shalt  }
0x4c: {  	_ =	shalt  }
0x4d: {  	_ =	shalt  }
0x4e: {  	_ =	shalt  }
0x4f: {  	_ =	shalt  }
0x50: {  	_ =	shalt  }
0x51: {  	_ =	shalt  }
0x52: {  	_ =	shalt  }
0x53: {  	_ =	shalt  }
0x54: {  	_ =	shalt  }
0x55: {  	_ =	shalt  }
0x56: {  	_ =	shalt  }
0x57: {  	_ =	shalt  }
0x58: {  	_ =	shalt  }
0x59: {  	_ =	shalt  }
0x5a: {  	_ =	shalt  }
0x5b: {  	_ =	shalt  }
0x5c: {  	_ =	shalt  }
0x5d: {  	_ =	shalt  }
0x5e: {  	_ =	shalt  }
0x5f: {  	_ =	shalt  }
0x60: {  	_ =	shalt  }
0x61: {  	_ =	shalt  }
0x62: {  	_ =	shalt  }
0x63: {  	_ =	shalt  }
0x64: {  	_ =	shalt  }
0x65: {  	_ =	shalt  }
0x66: {  	_ =	shalt  }
0x67: {  	_ =	shalt  }
0x68: {  	_ =	shalt  }
0x69: {  	_ =	shalt  }
0x6a: {  	_ =	shalt  }
0x6b: {  	_ =	shalt  }
0x6c: {  	_ =	shalt  }
0x6d: {  	_ =	shalt  }
0x6e: {  	_ =	shalt  }
0x6f: {  	_ =	shalt  }
0x70: {  	_ =	shalt  }
0x71: {  	_ =	shalt  }
0x72: {  	_ =	shalt  }
0x73: {  	_ =	shalt  }
0x74: {  	_ =	shalt  }
0x75: {  	_ =	shalt  }
0x76: {  	_ =	shalt  }
0x77: {  	_ =	shalt  }
0x78: {  	_ =	shalt  }
0x79: {  	_ =	shalt  }
0x7a: {  	_ =	shalt  }
0x7b: {  	_ =	shalt  }
0x7c: {  	_ =	shalt  }
0x7d: {  	_ =	shalt  }
0x7e: {  	_ =	shalt  }
0x7f: {  	_ =	shalt  }
0x80: {  	_ =	shalt  }
0x81: {  	_ =	shalt  }
0x82: {  	_ =	shalt  }
0x83: {  	_ =	shalt  }
0x84: {  	_ =	shalt  }
0x85: {  	_ =	shalt  }
0x86: {  	_ =	shalt  }
0x87: {  	_ =	shalt  }
.Lfunc_end0:
.L_simem_size_0:
called_computation_lowered:
.L_overlay_start_0:
0x88: {  	s2 =	sld [smem:$0x3FD9]  }
0x89: {  	s3 =	sld [smem:$0x3FFE];
	_ =	sdelay $0x1  }
0x8a: {  	s1 =	srdreg.scid  }
0x8b: {  	s0 =	sand.u32 $0x1, s1  }
0x8c: {  	s17 =	sshll.u32 s0, $0xA;
	s2 =	sadd.s32 s3, s2  }
0x8d: {  	s2 =	sadd.s32 s2, s17  }
0x8e: {  	[smem:$0x3FBB] =	sst s2  }
0x8f: {  	_ = 	snop  }
0x90: {  	s2 =	sld [smem:$0x3FD0];
	(tm) =	ssettm $0x1  }
0x91: {  	s18 =	sld [smem:$0x3FFB];
	_ =	sdelay $0x3  }
0x92: {  	_ =	strace s18  }
0x93: {  	s3 =	sld [smem:$0x3FFC];
	_ =	sdelay $0x3  }
0x94: {  	_ =	strace s3  }
0x95: {  	s3 =	sld [smem:$0x3FFD];
	_ =	sdelay $0x3  }
0x96: {  	_ =	strace s3  }
0x97: {  	_ =	strace $0x8FFFFFFF  }
0x98: {  	s19 =	sld [smem:$0x3FDB];
	_ =	sdelay $0x1  }
0x99: {  	s4 =	simm.s32 $_scs_section_size  }
0x9a: {  	s5 =	simm.s32 $_size__tile_overlayer_lowered;
	s6 =	simm.s32 $_tile_overlayer_lowered  }
0x9b: {  	s22 =	simm.s32 $0x1BFF;
	s21 =	sshll.u32 s6, $0x1;
	s3 =	sadd.s32 s4, s19  }
0x9c: {  	s7 =	simm.s32 $0x0;
	s20 =	sshll.u32 s5, $0x1;
	s5 =	sadd.s32 s21, s3  }
0x9d: {  	[timem:s7], [sflag:s22] =	dma.local [hbm:s5], s20  }
0x9e: {  	_ =	swait.ge [sflag:s22], s20  }
0x9f: {  	s4 =	ssub.s32 $0x0, s20;
	[sflag:s22] =	ssyncset.done $0x0  }
0xa0: {  	[sflag:s22] =	ssyncadd.s32 s4;
	_ =	sdelay $0x1  }
0xa1: {  	s23 =	simm.s32 $0x1B8B  }
0xa2: {  	_ =	swait.ge [sflag:s23], $0x1  }
0xa3: {  	[sflag:s23] =	ssyncset.done $0x0  }
0xa4: {  	s25 =	simm.s32 $0x1B8E;
	s24 =	sld [smem:$0x3FFE];
	[sflag:s23] =	ssyncadd.s32 $0xFFFFFFFF  }
0xa5: {  	s26 =	simm.s32 $execute0_lowered;
	[smem:$0x3FD2] =	sst s25  }
0xa6: {  	s5 =	sshll.u32 s26, $0x1;
	_ =	strace $0x80000046;
	[dreg:$0x1] =	wrdreg $0xFFFFFFFF  }
0xa7: {  	s28 =	simm.s32 $_size_execute0_lowered;
	s3 =	sadd.s32 s3, s5;
	[dreg:$0x0] =	wrdreg $0x0  }
0xa8: {  	s5 =	sshll.u32 s28, $0x1;
	[dreg:$0x2] =	wrdreg s3  }
0xa9: {  	[dreg:$0x3] =	wrdreg s5  }
0xaa: {  	[dreg:$0x4] =	wrdreg $0xC0  }
0xab: {  	_ =	task [dreg:s7], $0x5FFFF  }
0xac: {  	[dreg:$0x1] =	wrdreg $0xFFFFFFFF  }
0xad: {  	[dreg:$0x0] =	wrdreg $0x60  }
0xae: {  	[dreg:$0x2] =	wrdreg s24  }
0xaf: {  	[dreg:$0x3] =	wrdreg s2  }
0xb0: {  	[dreg:$0x4] =	wrdreg $0x41000  }
0xb1: {  	[dreg:$0x5] =	wrdreg $0x9  }
0xb2: {  	_ =	task.clear_ibuf [dreg:s7], $0x6FFFF;
	_ =	strace $0x90000046  }
0xb3: {  	s29 =	simm.s32 $0x9;
	_ =	strace $0x80000048  }
0xb4: {  	_ =	swait.ge [sflag:s29], $0x1  }
0xb5: {  	[sflag:s29] =	ssyncadd.s32 $0xFFFFFFFF  }
0xb6: {  	_ =	strace $0x90000048  }
0xb7: {  	_ =	sfence  }
0xb8: {  	s30 =	sld [smem:$0x0];
	_ =	sdelay $0x2  }
0xb9: {  	s31 =	sshll.u32 s1, $0xD;
	s1 =	sshrl.u32 s1, $0x2  }
0xba: {  	s3 =	sand.u32 $0x4000, s31;
	s1 =	sadd.s32 s1, s30  }
0xbb: {  	s0 =	sor.u32 s3, s0;
	s1 =	sshll.u32 s1, $0x11  }
0xbc: {  	s0 =	sor.u32 s1, s0  }
0xbd: {  	s0 =	sadd.s32 $0x8F2B, s0  }
0xbe: {  	[sflag:s0] =	ssyncadd.remote.s32 $0x1  }
0xbf: {  	_ =	sfence.sel $0xFFFF  }
0xc0: {  	[dreg:$0x0] =	wrdreg $0xFFFFFFFF;
	(pc) =	sbr.abs _section_cstart, $3  }
0xc1: {  	[dreg:$0x1] =	wrdreg $0xFFFFFFFF  }
0xc2: {  	_ =	task.clear_ibuf [dreg:s7], $0x2FFFF;
	_ =	strace $0x9FFFFFFF  }
0xc3: {  	(tm) =	ssettm $0x7FFFFFFF  }
tec
execute0_lowered:
.L_overlay_start_1:
0x0: {  	(tag) =	ssettag $0x1  }
0x1: {  	s0 =	rddreg [dreg:$0x0]  }
0x2: {  	s1 =	rddreg [dreg:$0x1]  }
0x3: {  	s2 =	rddreg [dreg:$0x2]  }
0x4: {  	s3 =	simm.s32 $0x0;
	s13 =	stileid.u32;
	s5 =	srdreg.scid  }
0x5: {  	s28 =	simm.s32 $0x0;
	[smem:$0x7FF] =	sst s3;
	s8 =	smul.u32 $0x9E0, s13  }
0x6: {  	s4 =	sadd.s32 $0x34E00, s0;
	s10 =	sand.u32 $0x1, s5;
	s6 =	smul.u32 $0x4E000, s13  }
0x7: {  	s11 =	sadd.s32 $0x5C000, s0;
	s9 =	smul.u32 $0x13800, s13;
	s25 =	sshll.u32 s13, $0x6  }
0x8: {  	s14 =	sadd.s32 $0x138000, s2;
	p0 =	sne.s32 s13, $0xF;
	_ =	strace $0x80000047  }
0x9: {  	s5 =	ssub.s32 $0x2, s10;
	s12 =	smul.u32 $0x138800, s10;
	[dreg:$0x4] =	wrdreg s14  }
0xa: {  	s22 =	smul.u32 $0x4F0, s10;
	s10 =	sadd.s32 $0x5BE00, s0;
	s15 =	sadd.s32 s8, s0  }
0xb: {  	s7 =	sshrl.u32 s5, $0x1;
	s23 =	sshrl.u32 s6, $0x2;
	s24 =	sshrl.u32 s9, $0x3  }
0xc: {  	s1 =	sadd.s32 s8, s1;
	s16 =	ssub.s32 s5, s7;
	s5 =	sadd.s32 s23, s2  }
0xd: {  	s6 =	sadd.s32 s4, s24;
	s7 =	sor.u32 $0x1C02, s25;
	s9 =	sadd.s32 s9, s12  }
0xe: {  	s12 =	sshrl.u32 s12, $0x3;
	s31 =	sadd.s32 s22, s15;
	s22 =	sadd.s32 s22, s1  }
0xf: {  	s23 =	simm.s32 $0x2;
	s24 =	simm.s32 $0x80;
	s25 =	simm.s32 $0x100  }
0x10: {  	s9 =	sshrl.u32 s9, $0x3;
	s17 =	sadd.s32 s11, s12;
	s16 =	smax.u32 s16, $0x1  }
0x11: {  	s18 =	sadd.s32 $0xD600, s31;
	s19 =	sadd.s32 $0x21200, s31;
	s20 =	sadd.s32 $0x3800, s31  }
0x12: {  	s21 =	sadd.s32 $0x17400, s31;
	s9 =	sadd.s32 s11, s9;
	s26 =	sadd.s32 $0x27000, s17  }
0x13: {  	s30 =	sadd.s32 $0x75200, s17;
	s15 =	sadd.s32 $0xC3400, s17;
	[dreg:$0x5] =	wrdreg s26  }
0x14: {  	s17 =	sadd.s32 $0x2B000, s31;
	s29 =	sadd.s32 $0x4E200, s9;
	[dreg:$0x7] =	wrdreg s30  }
0x15: {  	s14 =	sadd.s32 $0x9C400, s9;
	s26 =	simm.s32 $0x1;
	[dreg:$0x6] =	wrdreg s29  }
.LBB2_1:
0x16: {  	s29 =	sshrl.u32 s5, $0x3  }
0x17: {  	[spmem:s29], [sflag:s7] =	dma.local [hbm:s6], $0x2700  }
0x18: {  	_ =	swait.ge [sflag:s23], $0x2700  }
0x19: {  	[sflag:s23] =	ssyncset.done $0x0;
	s0 =	rddreg [dreg:$0x4]  }
0x1a: {  	[sflag:s23] =	ssyncadd.s32 $0xFFFFD900;
	s30 =	sshrl.u32 @!p0 s0, $0x3;
	s0 =	simm.s32 @!p0 $0x2  }
0x1b: {  	[spmem:s30], [sflag:s7] =	dma.local @!p0 [hbm:s10], $0x100  }
0x1c: {  	_ =	swait.ge @!p0 [sflag:s0], $0x100  }
0x1d: {  	[sflag:s0] =	ssyncset.done @!p0 $0x0  }
0x1e: {  	[sflag:s0] =	ssyncadd.s32 @!p0 $0xFFFFFF00  }
0x1f: {  	s13 =	sadd.s32 $0x0, s18;
	[bflag:$0x0] =	sbarrier.arrive $0xFFFF  }
0x20: {  	[tilespmem:s3], [sflag:$0x2] =	stream.linear.gather [hbm4b:s13+s3], $0x80, $0x38;
	[tilespmem:$0x17A00] =	vst v63  }
0x21: {  	_ =	swait.ge [sflag:s23], $0x80  }
0x22: {  	[sflag:s23] =	ssyncset.done $0x0  }
0x23: {  	s31 =	sadd.s32 $0x0, s17;
	[sflag:s23] =	ssyncadd.s32 $0xFFFFFF80  }
0x24: {  	[tilespmem:s24], [sflag:$0x2] =	stream.linear.gather [hbm4b:s31+s3], $0x80, $0x38;
	[tilespmem:$0x17A00] =	vst v63  }
0x25: {  	_ =	swait.ge [sflag:s23], $0x80  }
0x26: {  	[sflag:s23] =	ssyncset.done $0x0  }
0x27: {  	[sflag:s23] =	ssyncadd.s32 $0xFFFFFF80  }
0x28: {  	[tilespmem:s25], [sflag:$0x1] =	stream.indirect.gather [hbm4b:s4+s24], $0x80, s3, s24, $0xb8;
	[tilespmem:$0x17A00] =	vst v63  }
0x29: {  	_ =	swait.ge [sflag:s26], $0x4000  }
0x2a: {  	[sflag:s26] =	ssyncset.done $0x0  }
0x2b: {  	[sflag:s26] =	ssyncadd.s32 $0xFFFFC000  }
0x2c: {  	[spmem:s2] =	stream.indirect.scatter.add.f32 [tilespmem:s25], [sflag:$0x2], $0x80, s24, s24, $0xb8;
	[tilespmem:$0x17A00] =	vst v63  }
0x2d: {  	_ =	swait.ge [sflag:s23], $0x4000  }
0x2e: {  	s1 =	simm.s32 $0x20;
	s0 =	simm.s32 $0x10;
	[sflag:s23] =	ssyncset.done $0x0  }
.LBB2_2:
0x2f: {  	s8 =	sadd.s32 s0, s18  }
0x30: {  	[sflag:s23] =	ssyncadd.s32 $0xFFFFC000;
	s31 =	smov.u32 s1;
	s11 =	sadd.s32 $0x10, s1  }
0x31: {  	[tilespmem:s3], [sflag:$0x2] =	stream.linear.gather [hbm4b:s8+s3], $0x80, $0x38;
	[tilespmem:$0x17A00] =	vst v63  }
0x32: {  	p1 =	sne.s32 s1, $0x4E0;
	_ =	swait.ge [sflag:s23], $0x80  }
0x33: {  	[sflag:s23] =	ssyncset.done $0x0  }
0x34: {  	s1 =	sadd.s32 s0, s17;
	s0 =	smov.u32 s31;
	[sflag:s23] =	ssyncadd.s32 $0xFFFFFF80  }
0x35: {  	[tilespmem:s24], [sflag:$0x2] =	stream.linear.gather [hbm4b:s1+s3], $0x80, $0x38;
	[tilespmem:$0x17A00] =	vst v63  }
0x36: {  	_ =	swait.ge [sflag:s23], $0x80  }
0x37: {  	[sflag:s23] =	ssyncset.done $0x0  }
0x38: {  	[sflag:s23] =	ssyncadd.s32 $0xFFFFFF80  }
0x39: {  	[tilespmem:s25], [sflag:$0x1] =	stream.indirect.gather [hbm4b:s4+s24], $0x80, s3, s24, $0xb8;
	[tilespmem:$0x17A00] =	vst v63  }
0x3a: {  	_ =	swait.ge [sflag:s26], $0x4000  }
.Ltmp0:
0x3b: {  	[sflag:s26] =	ssyncset.done $0x0;
	(pc) =	sbr.rel @p1 .LBB2_2-.Ltmp0, $4  }
0x3c: {  	[sflag:s26] =	ssyncadd.s32 $0xFFFFC000  }
0x3d: {  	[spmem:s2] =	stream.indirect.scatter.add.f32 [tilespmem:s25], [sflag:$0x2], $0x80, s24, s24, $0xb8;
	[tilespmem:$0x17A00] =	vst v63  }
0x3e: {  	_ =	swait.ge [sflag:s23], $0x4000  }
0x3f: {  	s1 =	smov.u32 s11;
	[sflag:s23] =	ssyncset.done $0x0  }
0x40: {  	s1 =	sadd.s32 s0, s18;
	[sflag:s23] =	ssyncadd.s32 $0xFFFFC000  }
0x41: {  	[tilespmem:s3], [sflag:$0x2] =	stream.linear.gather [hbm4b:s1+s3], $0x80, $0x38;
	[tilespmem:$0x17A00] =	vst v63  }
0x42: {  	_ =	swait.ge [sflag:s23], $0x80  }
0x43: {  	[sflag:s23] =	ssyncset.done $0x0  }
0x44: {  	s11 =	sadd.s32 s0, s17;
	[sflag:s23] =	ssyncadd.s32 $0xFFFFFF80  }
0x45: {  	[tilespmem:s24], [sflag:$0x2] =	stream.linear.gather [hbm4b:s11+s3], $0x80, $0x38;
	[tilespmem:$0x17A00] =	vst v63  }
0x46: {  	_ =	swait.ge [sflag:s23], $0x80  }
0x47: {  	[sflag:s23] =	ssyncset.done $0x0  }
0x48: {  	[sflag:s23] =	ssyncadd.s32 $0xFFFFFF80  }
0x49: {  	[tilespmem:s25], [sflag:$0x1] =	stream.indirect.gather [hbm4b:s4+s24], $0x80, s3, s24, $0xb8;
	[tilespmem:$0x17A00] =	vst v63  }
0x4a: {  	_ =	swait.ge [sflag:s26], $0x4000  }
0x4b: {  	[sflag:s26] =	ssyncset.done $0x0  }
0x4c: {  	[sflag:s26] =	ssyncadd.s32 $0xFFFFC000  }
0x4d: {  	[spmem:s2] =	stream.indirect.scatter.add.f32 [tilespmem:s25], [sflag:$0x2], $0x80, s24, s24, $0xb8;
	[tilespmem:$0x17A00] =	vst v63  }
0x4e: {  	_ =	swait.ge [sflag:s23], $0x4000  }
0x4f: {  	[sflag:s23] =	ssyncset.done $0x0  }
0x50: {  	[sflag:s23] =	ssyncadd.s32 $0xFFFFC000  }
0x51: {  	[bflag:$0x0] =	sbarrier.arrive $0xFFFF  }
0x52: {  	[hbm:s9], [sflag:s7] =	dma.local [spmem:s29], $0x2700  }
0x53: {  	_ =	swait.ge [sflag:s23], $0x2700  }
0x54: {  	[sflag:s23] =	ssyncset.done $0x0  }
0x55: {  	[sflag:s23] =	ssyncadd.s32 $0xFFFFD900  }
0x56: {  	s31 =	sshrl.u32 @p0 s5, $0x3;
	s0 =	simm.s32 @p0 $0x2;
	[bflag:$0x0] =	sbarrier.arrive @p0 $0xFFFF  }
0x57: {  	[spmem:s31], [sflag:s7] =	dma.local @p0 [hbm:s6], $0x2700  }
0x58: {  	_ =	swait.ge @p0 [sflag:s0], $0x2700  }
0x59: {  	[sflag:s0] =	ssyncset.done @p0 $0x0  }
0x5a: {  	s1 =	simm.s32 @!p0 $0x2;
	[sflag:s0] =	ssyncadd.s32 @p0 $0xFFFFD900;
	s0 =	rddreg [dreg:$0x5]  }
0x5b: {  	[hbm:s0], [sflag:s7] =	dma.local @!p0 [spmem:s30], $0x100  }
0x5c: {  	_ =	swait.ge @!p0 [sflag:s1], $0x100  }
0x5d: {  	[sflag:s1] =	ssyncset.done @!p0 $0x0  }
0x5e: {  	[sflag:s1] =	ssyncadd.s32 @!p0 $0xFFFFFF00  }
0x5f: {  	s0 =	sshrl.u32 @!p0 s5, $0x3;
	[bflag:$0x0] =	sbarrier.arrive @!p0 $0xFFFF  }
0x60: {  	[spmem:s0], [sflag:s7] =	dma.local @!p0 [hbm:s6], $0x2700  }
0x61: {  	_ =	swait.ge @!p0 [sflag:s1], $0x2700  }
0x62: {  	[sflag:s1] =	ssyncset.done @!p0 $0x0  }
0x63: {  	[sflag:s1] =	ssyncadd.s32 @!p0 $0xFFFFD900  }
0x64: {  	[spmem:s30], [sflag:s7] =	dma.local @!p0 [hbm:s10], $0x100  }
0x65: {  	_ =	swait.ge @!p0 [sflag:s1], $0x100  }
0x66: {  	[sflag:s1] =	ssyncset.done @!p0 $0x0  }
0x67: {  	[sflag:s1] =	ssyncadd.s32 @!p0 $0xFFFFFF00  }
0x68: {  	s12 =	sadd.s32 $0x0, s20;
	[bflag:$0x0] =	sbarrier.arrive $0xFFFF  }
0x69: {  	[tilespmem:s3], [sflag:$0x2] =	stream.linear.gather [hbm4b:s12+s3], $0x80, $0x38;
	[tilespmem:$0x17A00] =	vst v63  }
0x6a: {  	_ =	swait.ge [sflag:s23], $0x80  }
0x6b: {  	[sflag:s23] =	ssyncset.done $0x0  }
0x6c: {  	s13 =	sadd.s32 $0x0, s19;
	[sflag:s23] =	ssyncadd.s32 $0xFFFFFF80  }
0x6d: {  	[tilespmem:s24], [sflag:$0x2] =	stream.linear.gather [hbm4b:s13+s3], $0x80, $0x38;
	[tilespmem:$0x17A00] =	vst v63  }
0x6e: {  	_ =	swait.ge [sflag:s23], $0x80  }
0x6f: {  	[sflag:s23] =	ssyncset.done $0x0  }
0x70: {  	[sflag:s23] =	ssyncadd.s32 $0xFFFFFF80  }
0x71: {  	[tilespmem:s25], [sflag:$0x1] =	stream.indirect.gather [hbm4b:s4+s24], $0x80, s3, s24, $0xb8;
	[tilespmem:$0x17A00] =	vst v63  }
0x72: {  	_ =	swait.ge [sflag:s26], $0x4000  }
0x73: {  	[sflag:s26] =	ssyncset.done $0x0  }
0x74: {  	[sflag:s26] =	ssyncadd.s32 $0xFFFFC000  }
0x75: {  	[spmem:s2] =	stream.indirect.scatter.add.f32 [tilespmem:s25], [sflag:$0x2], $0x80, s24, s24, $0xb8;
	[tilespmem:$0x17A00] =	vst v63  }
0x76: {  	_ =	swait.ge [sflag:s23], $0x4000  }
0x77: {  	s8 =	simm.s32 $0x20;
	s1 =	simm.s32 $0x10;
	[sflag:s23] =	ssyncset.done $0x0  }
.LBB2_4:
0x78: {  	s11 =	sadd.s32 s1, s20  }
0x79: {  	[sflag:s23] =	ssyncadd.s32 $0xFFFFC000;
	s12 =	smov.u32 s8;
	s13 =	sadd.s32 $0x10, s8  }
0x7a: {  	[tilespmem:s3], [sflag:$0x2] =	stream.linear.gather [hbm4b:s11+s3], $0x80, $0x38;
	[tilespmem:$0x17A00] =	vst v63  }
0x7b: {  	p1 =	sne.s32 s8, $0x4E0;
	_ =	swait.ge [sflag:s23], $0x80  }
0x7c: {  	[sflag:s23] =	ssyncset.done $0x0  }
0x7d: {  	s8 =	sadd.s32 s1, s19;
	s1 =	smov.u32 s12;
	[sflag:s23] =	ssyncadd.s32 $0xFFFFFF80  }
0x7e: {  	[tilespmem:s24], [sflag:$0x2] =	stream.linear.gather [hbm4b:s8+s3], $0x80, $0x38;
	[tilespmem:$0x17A00] =	vst v63  }
0x7f: {  	_ =	swait.ge [sflag:s23], $0x80  }
0x80: {  	[sflag:s23] =	ssyncset.done $0x0  }
0x81: {  	[sflag:s23] =	ssyncadd.s32 $0xFFFFFF80  }
0x82: {  	[tilespmem:s25], [sflag:$0x1] =	stream.indirect.gather [hbm4b:s4+s24], $0x80, s3, s24, $0xb8;
	[tilespmem:$0x17A00] =	vst v63  }
0x83: {  	_ =	swait.ge [sflag:s26], $0x4000  }
.Ltmp1:
0x84: {  	[sflag:s26] =	ssyncset.done $0x0;
	(pc) =	sbr.rel @p1 .LBB2_4-.Ltmp1, $4  }
0x85: {  	[sflag:s26] =	ssyncadd.s32 $0xFFFFC000  }
0x86: {  	[spmem:s2] =	stream.indirect.scatter.add.f32 [tilespmem:s25], [sflag:$0x2], $0x80, s24, s24, $0xb8;
	[tilespmem:$0x17A00] =	vst v63  }
0x87: {  	_ =	swait.ge [sflag:s23], $0x4000  }
0x88: {  	s8 =	smov.u32 s13;
	[sflag:s23] =	ssyncset.done $0x0  }
0x89: {  	s8 =	sadd.s32 s1, s20;
	[sflag:s23] =	ssyncadd.s32 $0xFFFFC000  }
0x8a: {  	[tilespmem:s3], [sflag:$0x2] =	stream.linear.gather [hbm4b:s8+s3], $0x80, $0x38;
	[tilespmem:$0x17A00] =	vst v63  }
0x8b: {  	_ =	swait.ge [sflag:s23], $0x80  }
0x8c: {  	[sflag:s23] =	ssyncset.done $0x0  }
0x8d: {  	s11 =	sadd.s32 s1, s19;
	[sflag:s23] =	ssyncadd.s32 $0xFFFFFF80  }
0x8e: {  	[tilespmem:s24], [sflag:$0x2] =	stream.linear.gather [hbm4b:s11+s3], $0x80, $0x38;
	[tilespmem:$0x17A00] =	vst v63  }
0x8f: {  	_ =	swait.ge [sflag:s23], $0x80  }
0x90: {  	[sflag:s23] =	ssyncset.done $0x0  }
0x91: {  	[sflag:s23] =	ssyncadd.s32 $0xFFFFFF80  }
0x92: {  	[tilespmem:s25], [sflag:$0x1] =	stream.indirect.gather [hbm4b:s4+s24], $0x80, s3, s24, $0xb8;
	[tilespmem:$0x17A00] =	vst v63  }
0x93: {  	_ =	swait.ge [sflag:s26], $0x4000  }
0x94: {  	[sflag:s26] =	ssyncset.done $0x0  }
0x95: {  	[sflag:s26] =	ssyncadd.s32 $0xFFFFC000  }
0x96: {  	[spmem:s2] =	stream.indirect.scatter.add.f32 [tilespmem:s25], [sflag:$0x2], $0x80, s24, s24, $0xb8;
	[tilespmem:$0x17A00] =	vst v63  }
0x97: {  	_ =	swait.ge [sflag:s23], $0x4000  }
0x98: {  	[sflag:s23] =	ssyncset.done $0x0  }
0x99: {  	[sflag:s23] =	ssyncadd.s32 $0xFFFFC000  }
0x9a: {  	[bflag:$0x0] =	sbarrier.arrive $0xFFFF  }
0x9b: {  	s12 =	rddreg [dreg:$0x6]  }
0x9c: {  	[hbm:s12], [sflag:s7] =	dma.local [spmem:s29], $0x2700  }
0x9d: {  	_ =	swait.ge [sflag:s23], $0x2700  }
0x9e: {  	[sflag:s23] =	ssyncset.done $0x0  }
0x9f: {  	[sflag:s23] =	ssyncadd.s32 $0xFFFFD900  }
0xa0: {  	s1 =	simm.s32 @p0 $0x2;
	[bflag:$0x0] =	sbarrier.arrive @p0 $0xFFFF  }
0xa1: {  	[spmem:s31], [sflag:s7] =	dma.local @p0 [hbm:s6], $0x2700  }
0xa2: {  	_ =	swait.ge @p0 [sflag:s1], $0x2700  }
0xa3: {  	[sflag:s1] =	ssyncset.done @p0 $0x0  }
0xa4: {  	[sflag:s1] =	ssyncadd.s32 @p0 $0xFFFFD900;
	s1 =	rddreg [dreg:$0x7]  }
0xa5: {  	[hbm:s1], [sflag:s7] =	dma.local @!p0 [spmem:s30], $0x100  }
0xa6: {  	s1 =	simm.s32 @!p0 $0x2  }
0xa7: {  	_ =	swait.ge @!p0 [sflag:s1], $0x100  }
0xa8: {  	[sflag:s1] =	ssyncset.done @!p0 $0x0  }
0xa9: {  	[sflag:s1] =	ssyncadd.s32 @!p0 $0xFFFFFF00  }
0xaa: {  	[bflag:$0x0] =	sbarrier.arrive @!p0 $0xFFFF  }
0xab: {  	[spmem:s0], [sflag:s7] =	dma.local @!p0 [hbm:s6], $0x2700  }
0xac: {  	_ =	swait.ge @!p0 [sflag:s1], $0x2700  }
0xad: {  	[sflag:s1] =	ssyncset.done @!p0 $0x0  }
0xae: {  	[sflag:s1] =	ssyncadd.s32 @!p0 $0xFFFFD900  }
0xaf: {  	[spmem:s30], [sflag:s7] =	dma.local @!p0 [hbm:s10], $0x100  }
0xb0: {  	_ =	swait.ge @!p0 [sflag:s1], $0x100  }
0xb1: {  	[sflag:s1] =	ssyncset.done @!p0 $0x0  }
0xb2: {  	[sflag:s1] =	ssyncadd.s32 @!p0 $0xFFFFFF00  }
0xb3: {  	s13 =	sadd.s32 $0x0, s22;
	[bflag:$0x0] =	sbarrier.arrive $0xFFFF  }
0xb4: {  	[tilespmem:s3], [sflag:$0x2] =	stream.linear.gather [hbm4b:s13+s3], $0x80, $0x38;
	[tilespmem:$0x17A00] =	vst v63  }
0xb5: {  	_ =	swait.ge [sflag:s23], $0x80  }
0xb6: {  	[sflag:s23] =	ssyncset.done $0x0  }
0xb7: {  	s31 =	sadd.s32 $0x0, s21;
	[sflag:s23] =	ssyncadd.s32 $0xFFFFFF80  }
0xb8: {  	[tilespmem:s24], [sflag:$0x2] =	stream.linear.gather [hbm4b:s31+s3], $0x80, $0x38;
	[tilespmem:$0x17A00] =	vst v63  }
0xb9: {  	_ =	swait.ge [sflag:s23], $0x80  }
0xba: {  	[sflag:s23] =	ssyncset.done $0x0  }
0xbb: {  	[sflag:s23] =	ssyncadd.s32 $0xFFFFFF80  }
0xbc: {  	[tilespmem:s25], [sflag:$0x1] =	stream.indirect.gather [hbm4b:s4+s24], $0x80, s3, s24, $0xb8;
	[tilespmem:$0x17A00] =	vst v63  }
0xbd: {  	_ =	swait.ge [sflag:s26], $0x4000  }
0xbe: {  	[sflag:s26] =	ssyncset.done $0x0  }
0xbf: {  	[sflag:s26] =	ssyncadd.s32 $0xFFFFC000  }
0xc0: {  	[spmem:s2] =	stream.indirect.scatter.add.f32 [tilespmem:s25], [sflag:$0x2], $0x80, s24, s24, $0xb8;
	[tilespmem:$0x17A00] =	vst v63  }
0xc1: {  	_ =	swait.ge [sflag:s23], $0x4000  }
0xc2: {  	s0 =	simm.s32 $0x10;
	s1 =	simm.s32 $0x20;
	[sflag:s23] =	ssyncset.done $0x0  }
.LBB2_6:
0xc3: {  	s8 =	sadd.s32 s0, s22  }
0xc4: {  	[sflag:s23] =	ssyncadd.s32 $0xFFFFC000;
	s11 =	smov.u32 s1;
	s12 =	sadd.s32 $0x10, s1  }
0xc5: {  	[tilespmem:s3], [sflag:$0x2] =	stream.linear.gather [hbm4b:s8+s3], $0x80, $0x38;
	[tilespmem:$0x17A00] =	vst v63  }
0xc6: {  	p1 =	sne.s32 s1, $0x4E0;
	_ =	swait.ge [sflag:s23], $0x80  }
0xc7: {  	[sflag:s23] =	ssyncset.done $0x0  }
0xc8: {  	s1 =	sadd.s32 s0, s21;
	s0 =	smov.u32 s11;
	[sflag:s23] =	ssyncadd.s32 $0xFFFFFF80  }
0xc9: {  	[tilespmem:s24], [sflag:$0x2] =	stream.linear.gather [hbm4b:s1+s3], $0x80, $0x38;
	[tilespmem:$0x17A00] =	vst v63  }
0xca: {  	_ =	swait.ge [sflag:s23], $0x80  }
0xcb: {  	[sflag:s23] =	ssyncset.done $0x0  }
0xcc: {  	[sflag:s23] =	ssyncadd.s32 $0xFFFFFF80  }
0xcd: {  	[tilespmem:s25], [sflag:$0x1] =	stream.indirect.gather [hbm4b:s4+s24], $0x80, s3, s24, $0xb8;
	[tilespmem:$0x17A00] =	vst v63  }
0xce: {  	_ =	swait.ge [sflag:s26], $0x4000  }
.Ltmp2:
0xcf: {  	[sflag:s26] =	ssyncset.done $0x0;
	(pc) =	sbr.rel @p1 .LBB2_6-.Ltmp2, $4  }
0xd0: {  	[sflag:s26] =	ssyncadd.s32 $0xFFFFC000  }
0xd1: {  	[spmem:s2] =	stream.indirect.scatter.add.f32 [tilespmem:s25], [sflag:$0x2], $0x80, s24, s24, $0xb8;
	[tilespmem:$0x17A00] =	vst v63  }
0xd2: {  	_ =	swait.ge [sflag:s23], $0x4000  }
0xd3: {  	s1 =	smov.u32 s12;
	[sflag:s23] =	ssyncset.done $0x0  }
0xd4: {  	s1 =	sadd.s32 s0, s22;
	[sflag:s23] =	ssyncadd.s32 $0xFFFFC000  }
0xd5: {  	[tilespmem:s3], [sflag:$0x2] =	stream.linear.gather [hbm4b:s1+s3], $0x80, $0x38;
	[tilespmem:$0x17A00] =	vst v63  }
0xd6: {  	_ =	swait.ge [sflag:s23], $0x80  }
0xd7: {  	[sflag:s23] =	ssyncset.done $0x0  }
0xd8: {  	s31 =	sadd.s32 s0, s21;
	[sflag:s23] =	ssyncadd.s32 $0xFFFFFF80  }
0xd9: {  	[tilespmem:s24], [sflag:$0x2] =	stream.linear.gather [hbm4b:s31+s3], $0x80, $0x38;
	[tilespmem:$0x17A00] =	vst v63  }
0xda: {  	_ =	swait.ge [sflag:s23], $0x80  }
0xdb: {  	[sflag:s23] =	ssyncset.done $0x0  }
0xdc: {  	[sflag:s23] =	ssyncadd.s32 $0xFFFFFF80  }
0xdd: {  	[tilespmem:s25], [sflag:$0x1] =	stream.indirect.gather [hbm4b:s4+s24], $0x80, s3, s24, $0xb8;
	[tilespmem:$0x17A00] =	vst v63  }
0xde: {  	_ =	swait.ge [sflag:s26], $0x4000  }
0xdf: {  	[sflag:s26] =	ssyncset.done $0x0  }
0xe0: {  	[sflag:s26] =	ssyncadd.s32 $0xFFFFC000  }
0xe1: {  	[spmem:s2] =	stream.indirect.scatter.add.f32 [tilespmem:s25], [sflag:$0x2], $0x80, s24, s24, $0xb8;
	[tilespmem:$0x17A00] =	vst v63  }
0xe2: {  	_ =	swait.ge [sflag:s23], $0x4000  }
0xe3: {  	[sflag:s23] =	ssyncset.done $0x0  }
0xe4: {  	[sflag:s23] =	ssyncadd.s32 $0xFFFFC000  }
0xe5: {  	[bflag:$0x0] =	sbarrier.arrive $0xFFFF  }
0xe6: {  	[hbm:s14], [sflag:s7] =	dma.local [spmem:s29], $0x2700  }
0xe7: {  	_ =	swait.ge [sflag:s23], $0x2700  }
0xe8: {  	s28 =	sadd.s32 $0x1, s28;
	[sflag:s23] =	ssyncset.done $0x0  }
0xe9: {  	s0 =	simm.s32 @!p0 $0x2;
	p1 =	sne.s32 s28, s16;
	[sflag:s23] =	ssyncadd.s32 $0xFFFFD900  }
0xea: {  	[hbm:s15], [sflag:s7] =	dma.local @!p0 [spmem:s30], $0x100  }
.Ltmp3:
0xeb: {  	_ =	swait.ge @!p0 [sflag:s0], $0x100;
	(pc) =	sbr.rel @p1 .LBB2_1-.Ltmp3, $3  }
0xec: {  	[sflag:s0] =	ssyncset.done @!p0 $0x0  }
0xed: {  	[sflag:s0] =	ssyncadd.s32 @!p0 $0xFFFFFF00  }
0xee: {  	[bflag:$0x0] =	sbarrier.arrive $0xFFFF;
	_ =	sdelay $0x1  }
0xef: {  	_ =	sfence.sel $0x180000  }
0xf0: {  	[bflag:$0x0] =	sbarrier.arrive $0xFFFF  }
0xf1: {  	_ =	strace $0x90000047  }
0xf2: {  	s0 =	stileid.u32;
	[bflag:$0x2] =	sbarrier.arrive $0xFFFF  }
0xf3: {  	p0 =	sne.s32 s0, $0x0;
	s0 =	rddreg [dreg:$0x3]  }
0xf4: {  	s0 =	sadd.s32 @!p0 $0x100000, s0  }
0xf5: {  	[sflag:s0] =	ssyncadd.tile.s32 @!p0 $0x1;
	_ =	shalt  }
.Lfunc_end2:
_tile_overlayer_lowered:
.L_overlay_start_2:
0xf6: {  	(tag) =	ssettag $0x2  }
0xf7: {  	s0 =	rddreg [dreg:$0x0];
	s2 =	stileid.u32  }
0xf8: {  	s1 =	rddreg [dreg:$0x1];
	p0 =	sne.s32 s2, $0x0  }
0xf9: {  	s3 =	rddreg [dreg:$0x2];
	[bflag:$0x3] =	sbarrier.arrive $0xFFFF;
	s2 =	simm.s32 @!p0 $0x1C02  }
0xfa: {  	[timem:s3], [sflag:s2] =	dma.local @!p0 [hbm:s0], s1  }
0xfb: {  	s0 =	simm.s32 @!p0 $0x2  }
0xfc: {  	_ =	swait.ge @!p0 [sflag:s0], s1  }
0xfd: {  	s1 =	ssub.s32 @!p0 $0x0, s1;
	[sflag:s0] =	ssyncset.done @!p0 $0x0  }
0xfe: {  	[sflag:s0] =	ssyncadd.s32 @!p0 s1  }
0xff: {  	[bflag:$0x3] =	sbarrier.arrive $0xFFFF  }
0x100: {  	_ =	shalt  }

</sc_bundles>
